<compile_context>
chip_gen: v7x
topology: tpu7x:2x2x1
jax: 0.10.2.dev20260603
libtpu: 0.0.44.dev20260713+nightly
codegen_flags: <defaults>
</compile_context>

<pallas_src>
import functools

import jax
import jax.numpy as jnp
from jax import lax
from jax.experimental import pallas as pl
from jax.experimental.pallas import tpu as pltpu
from jax.experimental.pallas import tpu_sc as plsc

EPS = 1e-05


def _ln_table_body(table_ref, gamma_ref, beta_ref, out_ref):
    t = table_ref[...]
    mean = jnp.mean(t, axis=-1, keepdims=True)
    var = jnp.mean(jnp.square(t - mean), axis=-1, keepdims=True)
    out_ref[...] = (t - mean) / jnp.sqrt(var + EPS) * gamma_ref[...] + beta_ref[...]


def _normalize_table(table, gamma, beta):
    V, D = table.shape
    return pl.pallas_call(
        _ln_table_body,
        out_shape=jax.ShapeDtypeStruct((V, D), jnp.float32),
    )(table, gamma.reshape(1, D), beta.reshape(1, D))


NBUF = 5
CHUNK = 128


@functools.lru_cache(maxsize=None)
def _make_sc_gather(V, D, N):
    info = plsc.get_sparse_core_info()
    NC, NS = info.num_cores, info.num_subcores
    NW = NC * NS
    assert N % NW == 0
    n_per_w = N // NW
    assert n_per_w % (CHUNK * NBUF) == 0
    n_chunks = n_per_w // CHUNK
    n_groups = n_chunks // NBUF

    mesh = plsc.VectorSubcoreMesh(core_axis_name="c", subcore_axis_name="s")

    @functools.partial(
        pl.kernel,
        mesh=mesh,
        out_type=jax.ShapeDtypeStruct((N, D), jnp.float32),
        scratch_types=[
            pltpu.VMEM((n_chunks, CHUNK), jnp.int32),
            pltpu.VMEM_SHARED((V, D), jnp.float32),
        ]
        + [pltpu.VMEM((CHUNK, D), jnp.float32) for _ in range(NBUF)]
        + [pltpu.SemaphoreType.DMA for _ in range(2 * NBUF)],
    )
    def gather_kernel(table_hbm, idx_hbm, out_hbm, idx_v, table_sp, *bufs_and_sems):
        bufs = bufs_and_sems[:NBUF]
        gsem = bufs_and_sems[NBUF:2 * NBUF]
        wsem = bufs_and_sems[2 * NBUF:]
        sid = lax.axis_index("s")
        wid = sid * NC + lax.axis_index("c")
        base = wid * n_per_w

        @pl.when(sid == 0)
        def _stage_table():
            pltpu.sync_copy(table_hbm, table_sp)

        pltpu.sync_copy(idx_hbm.at[wid], idx_v)
        plsc.subcore_barrier()

        for b in range(NBUF):
            pltpu.async_copy(table_sp.at[idx_v.at[b]], bufs[b], gsem[b])

        def body(g, carry):
            for b in range(NBUF):
                c = NBUF * g + b
                pltpu.make_async_copy(table_sp.at[idx_v.at[c]], bufs[b], gsem[b]).wait()
                pltpu.async_copy(
                    bufs[b], out_hbm.at[pl.ds(base + c * CHUNK, CHUNK)], wsem[b]
                ).wait()
                pltpu.async_copy(table_sp.at[idx_v.at[c + NBUF]], bufs[b], gsem[b])
            return carry

        lax.fori_loop(0, n_groups - 1, body, 0)

        for b in range(NBUF):
            c = NBUF * (n_groups - 1) + b
            pltpu.make_async_copy(table_sp.at[idx_v.at[c]], bufs[b], gsem[b]).wait()
            pltpu.async_copy(
                bufs[b], out_hbm.at[pl.ds(base + c * CHUNK, CHUNK)], wsem[b]
            ).wait()

    return gather_kernel


def kernel(x, table, gamma, beta):
    B, L = x.shape
    V, D = table.shape
    normed = _normalize_table(table, gamma, beta)
    N = B * L
    info = plsc.get_sparse_core_info()
    NW = info.num_cores * info.num_subcores
    idx = x.T.reshape(NW, (N // NW) // CHUNK, CHUNK).astype(jnp.int32)
    out = _make_sc_gather(V, D, N)(normed, idx)
    return out.reshape(L, B, D).transpose(1, 0, 2)

# --- scband reference (transcript-rebuilt; emitter-appended) ---
"""Pipeline reference for scband-batch-label-encoder-82540681494953 (READ-ONLY COPY).

The authoritative reference and input builder live on the scoring server;
editing this copy changes nothing except your own understanding.
"""

import jax, jax.numpy as jnp
import numpy as np

NUM_EMBEDDINGS = 1000
EMBEDDING_DIM = 128
B = 16384
L = 20
EPS = 1e-05


def setup_inputs(seed: int = 0) -> dict:
    key = jax.random.key(seed)
    k1, k2 = jax.random.split(key)
    x = jax.random.randint(k1, (B, L), 0, NUM_EMBEDDINGS)
    # keras Embedding default init: uniform(-0.05, 0.05)
    table = jax.random.uniform(k2, (NUM_EMBEDDINGS, EMBEDDING_DIM), dtype=jnp.float32, minval=-0.05, maxval=0.05)
    gamma = jnp.ones((EMBEDDING_DIM,), dtype=jnp.float32)
    beta = jnp.zeros((EMBEDDING_DIM,), dtype=jnp.float32)
    return {"x": x, "table": table, "gamma": gamma, "beta": beta}


def reference(x, table, gamma, beta):
    # Embedding lookup (gather)
    emb = jnp.take(table, x, axis=0)  # [B, L, D]
    # LayerNormalization over last axis, epsilon=1e-5, with learned scale/center
    mean = jnp.mean(emb, axis=-1, keepdims=True)
    var = jnp.mean(jnp.square(emb - mean), axis=-1, keepdims=True)
    normed = (emb - mean) / jnp.sqrt(var + EPS)
    out = normed * gamma + beta
    return out

if __name__ == "__main__":
    import jax
    _d = setup_inputs()
    print(jax.jit(kernel)(*tuple(_d.values())))

</pallas_src>

<mosaic_0001>
#map = affine_map<(d0, d1) -> (0, 0)>
#map1 = affine_map<(d0, d1) -> (0, 0, 0)>
module attributes {stable_mosaic.version = 14 : i64} {
  func.func @gather_kernel(%arg0: i32, %arg1: i32, %arg2: memref<1000x128xf32, #tpu.memory_space<hbm>>, %arg3: memref<32x80x128xi32, #tpu.memory_space<hbm>>, %arg4: memref<327680x128xf32, #tpu.memory_space<hbm>>, %arg5: memref<80x128xi32, #tpu.memory_space<vmem>>, %arg6: memref<1000x128xf32, #tpu.memory_space<vmem_shared>>, %arg7: memref<128x128xf32, #tpu.memory_space<vmem>>, %arg8: memref<128x128xf32, #tpu.memory_space<vmem>>, %arg9: memref<128x128xf32, #tpu.memory_space<vmem>>, %arg10: memref<128x128xf32, #tpu.memory_space<vmem>>, %arg11: memref<128x128xf32, #tpu.memory_space<vmem>>, %arg12: memref<!tpu.dma_semaphore, #tpu.memory_space<semaphore_mem>>, %arg13: memref<!tpu.dma_semaphore, #tpu.memory_space<semaphore_mem>>, %arg14: memref<!tpu.dma_semaphore, #tpu.memory_space<semaphore_mem>>, %arg15: memref<!tpu.dma_semaphore, #tpu.memory_space<semaphore_mem>>, %arg16: memref<!tpu.dma_semaphore, #tpu.memory_space<semaphore_mem>>, %arg17: memref<!tpu.dma_semaphore, #tpu.memory_space<semaphore_mem>>, %arg18: memref<!tpu.dma_semaphore, #tpu.memory_space<semaphore_mem>>, %arg19: memref<!tpu.dma_semaphore, #tpu.memory_space<semaphore_mem>>, %arg20: memref<!tpu.dma_semaphore, #tpu.memory_space<semaphore_mem>>, %arg21: memref<!tpu.dma_semaphore, #tpu.memory_space<semaphore_mem>>) attributes {dimension_semantics = [#tpu.dimension_semantics<core_parallel>, #tpu.dimension_semantics<subcore_parallel>], iteration_bounds = array<i64: 2, 16>, scalar_prefetch = 0 : i64, scratch_operands = 17 : i64, tpu.core_type = #tpu.core_type<sc_vector_subcore>, window_params = [{transform_indices = #map}, {transform_indices = #map1}, {transform_indices = #map}]} {
    %mul3A = arith.constant 2 : i32
    %mul3A_0 = arith.muli %arg1, %mul3A : i32
    %add3A = arith.addi %mul3A_0, %arg0 : i32
    %mul3A_1 = arith.constant 10240 : i32
    %mul3A_2 = arith.muli %add3A, %mul3A_1 : i32
    %eq3A = arith.constant 0 : i32
    %eq3A_3 = arith.cmpi eq, %arg1, %eq3A : i32
    %convert_element_type3A = arith.extui %eq3A_3 : i1 to i32
    %cond3A = arith.constant 0 : i32
    %cond3A_4 = arith.cmpi ne, %convert_element_type3A, %cond3A : i32
    scf.if %cond3A_4 {
      "tpu.region"() ({
        %run_scoped3A = tpu.sem_alloc : memref<!tpu.dma_semaphore, #tpu.memory_space<semaphore_mem>>
        tpu.enqueue_dma source(%arg2 : memref<1000x128xf32, #tpu.memory_space<hbm>>) target(%arg6 : memref<1000x128xf32, #tpu.memory_space<vmem_shared>>) target_semaphore(%run_scoped3A : memref<!tpu.dma_semaphore, #tpu.memory_space<semaphore_mem>>)
        tpu.wait_dma2 semaphore(%run_scoped3A : memref<!tpu.dma_semaphore, #tpu.memory_space<semaphore_mem>>) src(%arg2 : memref<1000x128xf32, #tpu.memory_space<hbm>>) dst(%arg6 : memref<1000x128xf32, #tpu.memory_space<vmem_shared>>)
        tpu.yield
      }) : () -> ()
    } else {
    }
    "tpu.region"() ({
      %run_scoped3A = tpu.sem_alloc : memref<!tpu.dma_semaphore, #tpu.memory_space<semaphore_mem>>
      %dma_start3A_128 = arith.constant 0 : i32
      %dma_start3A_129 = arith.constant 0 : i32
      %dma_start3A_130 = tpu.memref_slice %arg3[%add3A, %dma_start3A_128, %dma_start3A_129] : memref<32x80x128xi32, #tpu.memory_space<hbm>> -> memref<1x80x128xi32, #tpu.memory_space<hbm>>
      %dma_start3A_131 = tpu.memref_squeeze %dma_start3A_130 : memref<1x80x128xi32, #tpu.memory_space<hbm>> -> memref<80x128xi32, #tpu.memory_space<hbm>>
      %dma_start3A_132 = arith.constant 0 : i32
      %dma_start3A_133 = arith.constant 0 : i32
      %dma_start3A_134 = tpu.memref_slice %arg3[%add3A, %dma_start3A_132, %dma_start3A_133] : memref<32x80x128xi32, #tpu.memory_space<hbm>> -> memref<1x80x128xi32, #tpu.memory_space<hbm>>
      %dma_start3A_135 = tpu.memref_squeeze %dma_start3A_134 : memref<1x80x128xi32, #tpu.memory_space<hbm>> -> memref<80x128xi32, #tpu.memory_space<hbm>>
      tpu.enqueue_dma source(%dma_start3A_135 : memref<80x128xi32, #tpu.memory_space<hbm>>) target(%arg5 : memref<80x128xi32, #tpu.memory_space<vmem>>) target_semaphore(%run_scoped3A : memref<!tpu.dma_semaphore, #tpu.memory_space<semaphore_mem>>)
      %dma_wait3A_136 = arith.constant 0 : i32
      %dma_wait3A_137 = arith.constant 0 : i32
      %dma_wait3A_138 = tpu.memref_slice %arg3[%add3A, %dma_wait3A_136, %dma_wait3A_137] : memref<32x80x128xi32, #tpu.memory_space<hbm>> -> memref<1x80x128xi32, #tpu.memory_space<hbm>>
      %dma_wait3A_139 = tpu.memref_squeeze %dma_wait3A_138 : memref<1x80x128xi32, #tpu.memory_space<hbm>> -> memref<80x128xi32, #tpu.memory_space<hbm>>
      %dma_wait3A_140 = arith.constant 0 : i32
      %dma_wait3A_141 = arith.constant 0 : i32
      %dma_wait3A_142 = tpu.memref_slice %arg3[%add3A, %dma_wait3A_140, %dma_wait3A_141] : memref<32x80x128xi32, #tpu.memory_space<hbm>> -> memref<1x80x128xi32, #tpu.memory_space<hbm>>
      %dma_wait3A_143 = tpu.memref_squeeze %dma_wait3A_142 : memref<1x80x128xi32, #tpu.memory_space<hbm>> -> memref<80x128xi32, #tpu.memory_space<hbm>>
      tpu.wait_dma2 semaphore(%run_scoped3A : memref<!tpu.dma_semaphore, #tpu.memory_space<semaphore_mem>>) src(%dma_wait3A_143 : memref<80x128xi32, #tpu.memory_space<hbm>>) dst(%arg5 : memref<80x128xi32, #tpu.memory_space<vmem>>)
      tpu.yield
    }) : () -> ()
    %barrier3A = arith.constant 0 : index
    tpu.barrier barrier_id(%barrier3A)
    %dma_start3A = arith.constant 0 : i32
    %dma_start3A_5 = arith.constant 0 : i32
    %dma_start3A_6 = tpu.memref_slice %arg5[%dma_start3A, %dma_start3A_5] : memref<80x128xi32, #tpu.memory_space<vmem>> -> memref<1x128xi32, #tpu.memory_space<vmem>>
    %dma_start3A_7 = tpu.memref_squeeze %dma_start3A_6 : memref<1x128xi32, #tpu.memory_space<vmem>> -> memref<128xi32, #tpu.memory_space<vmem>>
    %dma_start3A_8 = arith.constant 0 : i32
    %dma_start3A_9 = arith.constant 0 : i32
    %dma_start3A_10 = tpu.memref_slice %arg6[%dma_start3A_8, %dma_start3A_9] : memref<1000x128xf32, #tpu.memory_space<vmem_shared>> -> memref<1000x128xf32, #tpu.memory_space<vmem_shared>>
    tpu.enqueue_indirect_dma source(%dma_start3A_10 : memref<1000x128xf32, #tpu.memory_space<vmem_shared>>) target(%arg7 : memref<128x128xf32, #tpu.memory_space<vmem>>) offsets(%dma_start3A_7 : memref<128xi32, #tpu.memory_space<vmem>>) semaphore(%arg12 : memref<!tpu.dma_semaphore, #tpu.memory_space<semaphore_mem>>)
    %dma_start3A_11 = arith.constant 1 : i32
    %dma_start3A_12 = arith.constant 0 : i32
    %dma_start3A_13 = tpu.memref_slice %arg5[%dma_start3A_11, %dma_start3A_12] : memref<80x128xi32, #tpu.memory_space<vmem>> -> memref<1x128xi32, #tpu.memory_space<vmem>>
    %dma_start3A_14 = tpu.memref_squeeze %dma_start3A_13 : memref<1x128xi32, #tpu.memory_space<vmem>> -> memref<128xi32, #tpu.memory_space<vmem>>
    %dma_start3A_15 = arith.constant 0 : i32
    %dma_start3A_16 = arith.constant 0 : i32
    %dma_start3A_17 = tpu.memref_slice %arg6[%dma_start3A_15, %dma_start3A_16] : memref<1000x128xf32, #tpu.memory_space<vmem_shared>> -> memref<1000x128xf32, #tpu.memory_space<vmem_shared>>
    tpu.enqueue_indirect_dma source(%dma_start3A_17 : memref<1000x128xf32, #tpu.memory_space<vmem_shared>>) target(%arg8 : memref<128x128xf32, #tpu.memory_space<vmem>>) offsets(%dma_start3A_14 : memref<128xi32, #tpu.memory_space<vmem>>) semaphore(%arg13 : memref<!tpu.dma_semaphore, #tpu.memory_space<semaphore_mem>>)
    %dma_start3A_18 = arith.constant 2 : i32
    %dma_start3A_19 = arith.constant 0 : i32
    %dma_start3A_20 = tpu.memref_slice %arg5[%dma_start3A_18, %dma_start3A_19] : memref<80x128xi32, #tpu.memory_space<vmem>> -> memref<1x128xi32, #tpu.memory_space<vmem>>
    %dma_start3A_21 = tpu.memref_squeeze %dma_start3A_20 : memref<1x128xi32, #tpu.memory_space<vmem>> -> memref<128xi32, #tpu.memory_space<vmem>>
    %dma_start3A_22 = arith.constant 0 : i32
    %dma_start3A_23 = arith.constant 0 : i32
    %dma_start3A_24 = tpu.memref_slice %arg6[%dma_start3A_22, %dma_start3A_23] : memref<1000x128xf32, #tpu.memory_space<vmem_shared>> -> memref<1000x128xf32, #tpu.memory_space<vmem_shared>>
    tpu.enqueue_indirect_dma source(%dma_start3A_24 : memref<1000x128xf32, #tpu.memory_space<vmem_shared>>) target(%arg9 : memref<128x128xf32, #tpu.memory_space<vmem>>) offsets(%dma_start3A_21 : memref<128xi32, #tpu.memory_space<vmem>>) semaphore(%arg14 : memref<!tpu.dma_semaphore, #tpu.memory_space<semaphore_mem>>)
    %dma_start3A_25 = arith.constant 3 : i32
    %dma_start3A_26 = arith.constant 0 : i32
    %dma_start3A_27 = tpu.memref_slice %arg5[%dma_start3A_25, %dma_start3A_26] : memref<80x128xi32, #tpu.memory_space<vmem>> -> memref<1x128xi32, #tpu.memory_space<vmem>>
    %dma_start3A_28 = tpu.memref_squeeze %dma_start3A_27 : memref<1x128xi32, #tpu.memory_space<vmem>> -> memref<128xi32, #tpu.memory_space<vmem>>
    %dma_start3A_29 = arith.constant 0 : i32
    %dma_start3A_30 = arith.constant 0 : i32
    %dma_start3A_31 = tpu.memref_slice %arg6[%dma_start3A_29, %dma_start3A_30] : memref<1000x128xf32, #tpu.memory_space<vmem_shared>> -> memref<1000x128xf32, #tpu.memory_space<vmem_shared>>
    tpu.enqueue_indirect_dma source(%dma_start3A_31 : memref<1000x128xf32, #tpu.memory_space<vmem_shared>>) target(%arg10 : memref<128x128xf32, #tpu.memory_space<vmem>>) offsets(%dma_start3A_28 : memref<128xi32, #tpu.memory_space<vmem>>) semaphore(%arg15 : memref<!tpu.dma_semaphore, #tpu.memory_space<semaphore_mem>>)
    %dma_start3A_32 = arith.constant 4 : i32
    %dma_start3A_33 = arith.constant 0 : i32
    %dma_start3A_34 = tpu.memref_slice %arg5[%dma_start3A_32, %dma_start3A_33] : memref<80x128xi32, #tpu.memory_space<vmem>> -> memref<1x128xi32, #tpu.memory_space<vmem>>
    %dma_start3A_35 = tpu.memref_squeeze %dma_start3A_34 : memref<1x128xi32, #tpu.memory_space<vmem>> -> memref<128xi32, #tpu.memory_space<vmem>>
    %dma_start3A_36 = arith.constant 0 : i32
    %dma_start3A_37 = arith.constant 0 : i32
    %dma_start3A_38 = tpu.memref_slice %arg6[%dma_start3A_36, %dma_start3A_37] : memref<1000x128xf32, #tpu.memory_space<vmem_shared>> -> memref<1000x128xf32, #tpu.memory_space<vmem_shared>>
    tpu.enqueue_indirect_dma source(%dma_start3A_38 : memref<1000x128xf32, #tpu.memory_space<vmem_shared>>) target(%arg11 : memref<128x128xf32, #tpu.memory_space<vmem>>) offsets(%dma_start3A_35 : memref<128xi32, #tpu.memory_space<vmem>>) semaphore(%arg16 : memref<!tpu.dma_semaphore, #tpu.memory_space<semaphore_mem>>)
    %scan3A = arith.constant 0 : i32
    %scan3A_39 = arith.constant 0 : i32
    %scan3A_40 = arith.constant 15 : i32
    %scan3A_41 = arith.addi %scan3A_39, %scan3A_40 : i32
    %scan3A_42 = arith.constant 1 : i32
    scf.for %scan3A_128 = %scan3A_39 to %scan3A_41 step %scan3A_42  : i32 {
      %mul3A_129 = arith.constant 5 : i32
      %mul3A_130 = arith.muli %mul3A_129, %scan3A_128 : i32
      %add3A_131 = arith.constant 0 : i32
      %add3A_132 = arith.addi %mul3A_130, %add3A_131 : i32
      %dma_wait3A_133 = arith.constant 0 : i32
      %dma_wait3A_134 = tpu.memref_slice %arg5[%add3A_132, %dma_wait3A_133] : memref<80x128xi32, #tpu.memory_space<vmem>> -> memref<1x128xi32, #tpu.memory_space<vmem>>
      %dma_wait3A_135 = tpu.memref_squeeze %dma_wait3A_134 : memref<1x128xi32, #tpu.memory_space<vmem>> -> memref<128xi32, #tpu.memory_space<vmem>>
      %dma_wait3A_136 = arith.constant 0 : i32
      %dma_wait3A_137 = arith.constant 0 : i32
      %dma_wait3A_138 = tpu.memref_slice %arg6[%dma_wait3A_136, %dma_wait3A_137] : memref<1000x128xf32, #tpu.memory_space<vmem_shared>> -> memref<1000x128xf32, #tpu.memory_space<vmem_shared>>
      tpu.wait_indirect_dma semaphore(%arg12 : memref<!tpu.dma_semaphore, #tpu.memory_space<semaphore_mem>>) src(%dma_wait3A_138 : memref<1000x128xf32, #tpu.memory_space<vmem_shared>>) dst(%arg7 : memref<128x128xf32, #tpu.memory_space<vmem>>)
      %mul3A_139 = arith.constant 128 : i32
      %mul3A_140 = arith.muli %add3A_132, %mul3A_139 : i32
      %add3A_141 = arith.addi %mul3A_2, %mul3A_140 : i32
      %dma_start3A_142 = arith.constant 0 : i32
      %dma_start3A_143 = tpu.memref_slice %arg4[%add3A_141, %dma_start3A_142] : memref<327680x128xf32, #tpu.memory_space<hbm>> -> memref<128x128xf32, #tpu.memory_space<hbm>>
      %dma_start3A_144 = arith.constant 0 : i32
      %dma_start3A_145 = tpu.memref_slice %arg4[%add3A_141, %dma_start3A_144] : memref<327680x128xf32, #tpu.memory_space<hbm>> -> memref<128x128xf32, #tpu.memory_space<hbm>>
      tpu.enqueue_dma source(%arg7 : memref<128x128xf32, #tpu.memory_space<vmem>>) target(%dma_start3A_145 : memref<128x128xf32, #tpu.memory_space<hbm>>) target_semaphore(%arg17 : memref<!tpu.dma_semaphore, #tpu.memory_space<semaphore_mem>>)
      %dma_wait3A_146 = arith.constant 0 : i32
      %dma_wait3A_147 = tpu.memref_slice %arg4[%add3A_141, %dma_wait3A_146] : memref<327680x128xf32, #tpu.memory_space<hbm>> -> memref<128x128xf32, #tpu.memory_space<hbm>>
      %dma_wait3A_148 = arith.constant 0 : i32
      %dma_wait3A_149 = tpu.memref_slice %arg4[%add3A_141, %dma_wait3A_148] : memref<327680x128xf32, #tpu.memory_space<hbm>> -> memref<128x128xf32, #tpu.memory_space<hbm>>
      tpu.wait_dma2 semaphore(%arg17 : memref<!tpu.dma_semaphore, #tpu.memory_space<semaphore_mem>>) src(%arg7 : memref<128x128xf32, #tpu.memory_space<vmem>>) dst(%dma_wait3A_149 : memref<128x128xf32, #tpu.memory_space<hbm>>)
      %add3A_150 = arith.constant 5 : i32
      %add3A_151 = arith.addi %add3A_132, %add3A_150 : i32
      %dma_start3A_152 = arith.constant 0 : i32
      %dma_start3A_153 = tpu.memref_slice %arg5[%add3A_151, %dma_start3A_152] : memref<80x128xi32, #tpu.memory_space<vmem>> -> memref<1x128xi32, #tpu.memory_space<vmem>>
      %dma_start3A_154 = tpu.memref_squeeze %dma_start3A_153 : memref<1x128xi32, #tpu.memory_space<vmem>> -> memref<128xi32, #tpu.memory_space<vmem>>
      %dma_start3A_155 = arith.constant 0 : i32
      %dma_start3A_156 = arith.constant 0 : i32
      %dma_start3A_157 = tpu.memref_slice %arg6[%dma_start3A_155, %dma_start3A_156] : memref<1000x128xf32, #tpu.memory_space<vmem_shared>> -> memref<1000x128xf32, #tpu.memory_space<vmem_shared>>
      tpu.enqueue_indirect_dma source(%dma_start3A_157 : memref<1000x128xf32, #tpu.memory_space<vmem_shared>>) target(%arg7 : memref<128x128xf32, #tpu.memory_space<vmem>>) offsets(%dma_start3A_154 : memref<128xi32, #tpu.memory_space<vmem>>) semaphore(%arg12 : memref<!tpu.dma_semaphore, #tpu.memory_space<semaphore_mem>>)
      %mul3A_158 = arith.constant 5 : i32
      %mul3A_159 = arith.muli %mul3A_158, %scan3A_128 : i32
      %add3A_160 = arith.constant 1 : i32
      %add3A_161 = arith.addi %mul3A_159, %add3A_160 : i32
      %dma_wait3A_162 = arith.constant 0 : i32
      %dma_wait3A_163 = tpu.memref_slice %arg5[%add3A_161, %dma_wait3A_162] : memref<80x128xi32, #tpu.memory_space<vmem>> -> memref<1x128xi32, #tpu.memory_space<vmem>>
      %dma_wait3A_164 = tpu.memref_squeeze %dma_wait3A_163 : memref<1x128xi32, #tpu.memory_space<vmem>> -> memref<128xi32, #tpu.memory_space<vmem>>
      %dma_wait3A_165 = arith.constant 0 : i32
      %dma_wait3A_166 = arith.constant 0 : i32
      %dma_wait3A_167 = tpu.memref_slice %arg6[%dma_wait3A_165, %dma_wait3A_166] : memref<1000x128xf32, #tpu.memory_space<vmem_shared>> -> memref<1000x128xf32, #tpu.memory_space<vmem_shared>>
      tpu.wait_indirect_dma semaphore(%arg13 : memref<!tpu.dma_semaphore, #tpu.memory_space<semaphore_mem>>) src(%dma_wait3A_167 : memref<1000x128xf32, #tpu.memory_space<vmem_shared>>) dst(%arg8 : memref<128x128xf32, #tpu.memory_space<vmem>>)
      %mul3A_168 = arith.constant 128 : i32
      %mul3A_169 = arith.muli %add3A_161, %mul3A_168 : i32
      %add3A_170 = arith.addi %mul3A_2, %mul3A_169 : i32
      %dma_start3A_171 = arith.constant 0 : i32
      %dma_start3A_172 = tpu.memref_slice %arg4[%add3A_170, %dma_start3A_171] : memref<327680x128xf32, #tpu.memory_space<hbm>> -> memref<128x128xf32, #tpu.memory_space<hbm>>
      %dma_start3A_173 = arith.constant 0 : i32
      %dma_start3A_174 = tpu.memref_slice %arg4[%add3A_170, %dma_start3A_173] : memref<327680x128xf32, #tpu.memory_space<hbm>> -> memref<128x128xf32, #tpu.memory_space<hbm>>
      tpu.enqueue_dma source(%arg8 : memref<128x128xf32, #tpu.memory_space<vmem>>) target(%dma_start3A_174 : memref<128x128xf32, #tpu.memory_space<hbm>>) target_semaphore(%arg18 : memref<!tpu.dma_semaphore, #tpu.memory_space<semaphore_mem>>)
      %dma_wait3A_175 = arith.constant 0 : i32
      %dma_wait3A_176 = tpu.memref_slice %arg4[%add3A_170, %dma_wait3A_175] : memref<327680x128xf32, #tpu.memory_space<hbm>> -> memref<128x128xf32, #tpu.memory_space<hbm>>
      %dma_wait3A_177 = arith.constant 0 : i32
      %dma_wait3A_178 = tpu.memref_slice %arg4[%add3A_170, %dma_wait3A_177] : memref<327680x128xf32, #tpu.memory_space<hbm>> -> memref<128x128xf32, #tpu.memory_space<hbm>>
      tpu.wait_dma2 semaphore(%arg18 : memref<!tpu.dma_semaphore, #tpu.memory_space<semaphore_mem>>) src(%arg8 : memref<128x128xf32, #tpu.memory_space<vmem>>) dst(%dma_wait3A_178 : memref<128x128xf32, #tpu.memory_space<hbm>>)
      %add3A_179 = arith.constant 5 : i32
      %add3A_180 = arith.addi %add3A_161, %add3A_179 : i32
      %dma_start3A_181 = arith.constant 0 : i32
      %dma_start3A_182 = tpu.memref_slice %arg5[%add3A_180, %dma_start3A_181] : memref<80x128xi32, #tpu.memory_space<vmem>> -> memref<1x128xi32, #tpu.memory_space<vmem>>
      %dma_start3A_183 = tpu.memref_squeeze %dma_start3A_182 : memref<1x128xi32, #tpu.memory_space<vmem>> -> memref<128xi32, #tpu.memory_space<vmem>>
      %dma_start3A_184 = arith.constant 0 : i32
      %dma_start3A_185 = arith.constant 0 : i32
      %dma_start3A_186 = tpu.memref_slice %arg6[%dma_start3A_184, %dma_start3A_185] : memref<1000x128xf32, #tpu.memory_space<vmem_shared>> -> memref<1000x128xf32, #tpu.memory_space<vmem_shared>>
      tpu.enqueue_indirect_dma source(%dma_start3A_186 : memref<1000x128xf32, #tpu.memory_space<vmem_shared>>) target(%arg8 : memref<128x128xf32, #tpu.memory_space<vmem>>) offsets(%dma_start3A_183 : memref<128xi32, #tpu.memory_space<vmem>>) semaphore(%arg13 : memref<!tpu.dma_semaphore, #tpu.memory_space<semaphore_mem>>)
      %mul3A_187 = arith.constant 5 : i32
      %mul3A_188 = arith.muli %mul3A_187, %scan3A_128 : i32
      %add3A_189 = arith.constant 2 : i32
      %add3A_190 = arith.addi %mul3A_188, %add3A_189 : i32
      %dma_wait3A_191 = arith.constant 0 : i32
      %dma_wait3A_192 = tpu.memref_slice %arg5[%add3A_190, %dma_wait3A_191] : memref<80x128xi32, #tpu.memory_space<vmem>> -> memref<1x128xi32, #tpu.memory_space<vmem>>
      %dma_wait3A_193 = tpu.memref_squeeze %dma_wait3A_192 : memref<1x128xi32, #tpu.memory_space<vmem>> -> memref<128xi32, #tpu.memory_space<vmem>>
      %dma_wait3A_194 = arith.constant 0 : i32
      %dma_wait3A_195 = arith.constant 0 : i32
      %dma_wait3A_196 = tpu.memref_slice %arg6[%dma_wait3A_194, %dma_wait3A_195] : memref<1000x128xf32, #tpu.memory_space<vmem_shared>> -> memref<1000x128xf32, #tpu.memory_space<vmem_shared>>
      tpu.wait_indirect_dma semaphore(%arg14 : memref<!tpu.dma_semaphore, #tpu.memory_space<semaphore_mem>>) src(%dma_wait3A_196 : memref<1000x128xf32, #tpu.memory_space<vmem_shared>>) dst(%arg9 : memref<128x128xf32, #tpu.memory_space<vmem>>)
      %mul3A_197 = arith.constant 128 : i32
      %mul3A_198 = arith.muli %add3A_190, %mul3A_197 : i32
      %add3A_199 = arith.addi %mul3A_2, %mul3A_198 : i32
      %dma_start3A_200 = arith.constant 0 : i32
      %dma_start3A_201 = tpu.memref_slice %arg4[%add3A_199, %dma_start3A_200] : memref<327680x128xf32, #tpu.memory_space<hbm>> -> memref<128x128xf32, #tpu.memory_space<hbm>>
      %dma_start3A_202 = arith.constant 0 : i32
      %dma_start3A_203 = tpu.memref_slice %arg4[%add3A_199, %dma_start3A_202] : memref<327680x128xf32, #tpu.memory_space<hbm>> -> memref<128x128xf32, #tpu.memory_space<hbm>>
      tpu.enqueue_dma source(%arg9 : memref<128x128xf32, #tpu.memory_space<vmem>>) target(%dma_start3A_203 : memref<128x128xf32, #tpu.memory_space<hbm>>) target_semaphore(%arg19 : memref<!tpu.dma_semaphore, #tpu.memory_space<semaphore_mem>>)
      %dma_wait3A_204 = arith.constant 0 : i32
      %dma_wait3A_205 = tpu.memref_slice %arg4[%add3A_199, %dma_wait3A_204] : memref<327680x128xf32, #tpu.memory_space<hbm>> -> memref<128x128xf32, #tpu.memory_space<hbm>>
      %dma_wait3A_206 = arith.constant 0 : i32
      %dma_wait3A_207 = tpu.memref_slice %arg4[%add3A_199, %dma_wait3A_206] : memref<327680x128xf32, #tpu.memory_space<hbm>> -> memref<128x128xf32, #tpu.memory_space<hbm>>
      tpu.wait_dma2 semaphore(%arg19 : memref<!tpu.dma_semaphore, #tpu.memory_space<semaphore_mem>>) src(%arg9 : memref<128x128xf32, #tpu.memory_space<vmem>>) dst(%dma_wait3A_207 : memref<128x128xf32, #tpu.memory_space<hbm>>)
      %add3A_208 = arith.constant 5 : i32
      %add3A_209 = arith.addi %add3A_190, %add3A_208 : i32
      %dma_start3A_210 = arith.constant 0 : i32
      %dma_start3A_211 = tpu.memref_slice %arg5[%add3A_209, %dma_start3A_210] : memref<80x128xi32, #tpu.memory_space<vmem>> -> memref<1x128xi32, #tpu.memory_space<vmem>>
      %dma_start3A_212 = tpu.memref_squeeze %dma_start3A_211 : memref<1x128xi32, #tpu.memory_space<vmem>> -> memref<128xi32, #tpu.memory_space<vmem>>
      %dma_start3A_213 = arith.constant 0 : i32
      %dma_start3A_214 = arith.constant 0 : i32
      %dma_start3A_215 = tpu.memref_slice %arg6[%dma_start3A_213, %dma_start3A_214] : memref<1000x128xf32, #tpu.memory_space<vmem_shared>> -> memref<1000x128xf32, #tpu.memory_space<vmem_shared>>
      tpu.enqueue_indirect_dma source(%dma_start3A_215 : memref<1000x128xf32, #tpu.memory_space<vmem_shared>>) target(%arg9 : memref<128x128xf32, #tpu.memory_space<vmem>>) offsets(%dma_start3A_212 : memref<128xi32, #tpu.memory_space<vmem>>) semaphore(%arg14 : memref<!tpu.dma_semaphore, #tpu.memory_space<semaphore_mem>>)
      %mul3A_216 = arith.constant 5 : i32
      %mul3A_217 = arith.muli %mul3A_216, %scan3A_128 : i32
      %add3A_218 = arith.constant 3 : i32
      %add3A_219 = arith.addi %mul3A_217, %add3A_218 : i32
      %dma_wait3A_220 = arith.constant 0 : i32
      %dma_wait3A_221 = tpu.memref_slice %arg5[%add3A_219, %dma_wait3A_220] : memref<80x128xi32, #tpu.memory_space<vmem>> -> memref<1x128xi32, #tpu.memory_space<vmem>>
      %dma_wait3A_222 = tpu.memref_squeeze %dma_wait3A_221 : memref<1x128xi32, #tpu.memory_space<vmem>> -> memref<128xi32, #tpu.memory_space<vmem>>
      %dma_wait3A_223 = arith.constant 0 : i32
      %dma_wait3A_224 = arith.constant 0 : i32
      %dma_wait3A_225 = tpu.memref_slice %arg6[%dma_wait3A_223, %dma_wait3A_224] : memref<1000x128xf32, #tpu.memory_space<vmem_shared>> -> memref<1000x128xf32, #tpu.memory_space<vmem_shared>>
      tpu.wait_indirect_dma semaphore(%arg15 : memref<!tpu.dma_semaphore, #tpu.memory_space<semaphore_mem>>) src(%dma_wait3A_225 : memref<1000x128xf32, #tpu.memory_space<vmem_shared>>) dst(%arg10 : memref<128x128xf32, #tpu.memory_space<vmem>>)
      %mul3A_226 = arith.constant 128 : i32
      %mul3A_227 = arith.muli %add3A_219, %mul3A_226 : i32
      %add3A_228 = arith.addi %mul3A_2, %mul3A_227 : i32
      %dma_start3A_229 = arith.constant 0 : i32
      %dma_start3A_230 = tpu.memref_slice %arg4[%add3A_228, %dma_start3A_229] : memref<327680x128xf32, #tpu.memory_space<hbm>> -> memref<128x128xf32, #tpu.memory_space<hbm>>
      %dma_start3A_231 = arith.constant 0 : i32
      %dma_start3A_232 = tpu.memref_slice %arg4[%add3A_228, %dma_start3A_231] : memref<327680x128xf32, #tpu.memory_space<hbm>> -> memref<128x128xf32, #tpu.memory_space<hbm>>
      tpu.enqueue_dma source(%arg10 : memref<128x128xf32, #tpu.memory_space<vmem>>) target(%dma_start3A_232 : memref<128x128xf32, #tpu.memory_space<hbm>>) target_semaphore(%arg20 : memref<!tpu.dma_semaphore, #tpu.memory_space<semaphore_mem>>)
      %dma_wait3A_233 = arith.constant 0 : i32
      %dma_wait3A_234 = tpu.memref_slice %arg4[%add3A_228, %dma_wait3A_233] : memref<327680x128xf32, #tpu.memory_space<hbm>> -> memref<128x128xf32, #tpu.memory_space<hbm>>
      %dma_wait3A_235 = arith.constant 0 : i32
      %dma_wait3A_236 = tpu.memref_slice %arg4[%add3A_228, %dma_wait3A_235] : memref<327680x128xf32, #tpu.memory_space<hbm>> -> memref<128x128xf32, #tpu.memory_space<hbm>>
      tpu.wait_dma2 semaphore(%arg20 : memref<!tpu.dma_semaphore, #tpu.memory_space<semaphore_mem>>) src(%arg10 : memref<128x128xf32, #tpu.memory_space<vmem>>) dst(%dma_wait3A_236 : memref<128x128xf32, #tpu.memory_space<hbm>>)
      %add3A_237 = arith.constant 5 : i32
      %add3A_238 = arith.addi %add3A_219, %add3A_237 : i32
      %dma_start3A_239 = arith.constant 0 : i32
      %dma_start3A_240 = tpu.memref_slice %arg5[%add3A_238, %dma_start3A_239] : memref<80x128xi32, #tpu.memory_space<vmem>> -> memref<1x128xi32, #tpu.memory_space<vmem>>
      %dma_start3A_241 = tpu.memref_squeeze %dma_start3A_240 : memref<1x128xi32, #tpu.memory_space<vmem>> -> memref<128xi32, #tpu.memory_space<vmem>>
      %dma_start3A_242 = arith.constant 0 : i32
      %dma_start3A_243 = arith.constant 0 : i32
      %dma_start3A_244 = tpu.memref_slice %arg6[%dma_start3A_242, %dma_start3A_243] : memref<1000x128xf32, #tpu.memory_space<vmem_shared>> -> memref<1000x128xf32, #tpu.memory_space<vmem_shared>>
      tpu.enqueue_indirect_dma source(%dma_start3A_244 : memref<1000x128xf32, #tpu.memory_space<vmem_shared>>) target(%arg10 : memref<128x128xf32, #tpu.memory_space<vmem>>) offsets(%dma_start3A_241 : memref<128xi32, #tpu.memory_space<vmem>>) semaphore(%arg15 : memref<!tpu.dma_semaphore, #tpu.memory_space<semaphore_mem>>)
      %mul3A_245 = arith.constant 5 : i32
      %mul3A_246 = arith.muli %mul3A_245, %scan3A_128 : i32
      %add3A_247 = arith.constant 4 : i32
      %add3A_248 = arith.addi %mul3A_246, %add3A_247 : i32
      %dma_wait3A_249 = arith.constant 0 : i32
      %dma_wait3A_250 = tpu.memref_slice %arg5[%add3A_248, %dma_wait3A_249] : memref<80x128xi32, #tpu.memory_space<vmem>> -> memref<1x128xi32, #tpu.memory_space<vmem>>
      %dma_wait3A_251 = tpu.memref_squeeze %dma_wait3A_250 : memref<1x128xi32, #tpu.memory_space<vmem>> -> memref<128xi32, #tpu.memory_space<vmem>>
      %dma_wait3A_252 = arith.constant 0 : i32
      %dma_wait3A_253 = arith.constant 0 : i32
      %dma_wait3A_254 = tpu.memref_slice %arg6[%dma_wait3A_252, %dma_wait3A_253] : memref<1000x128xf32, #tpu.memory_space<vmem_shared>> -> memref<1000x128xf32, #tpu.memory_space<vmem_shared>>
      tpu.wait_indirect_dma semaphore(%arg16 : memref<!tpu.dma_semaphore, #tpu.memory_space<semaphore_mem>>) src(%dma_wait3A_254 : memref<1000x128xf32, #tpu.memory_space<vmem_shared>>) dst(%arg11 : memref<128x128xf32, #tpu.memory_space<vmem>>)
      %mul3A_255 = arith.constant 128 : i32
      %mul3A_256 = arith.muli %add3A_248, %mul3A_255 : i32
      %add3A_257 = arith.addi %mul3A_2, %mul3A_256 : i32
      %dma_start3A_258 = arith.constant 0 : i32
      %dma_start3A_259 = tpu.memref_slice %arg4[%add3A_257, %dma_start3A_258] : memref<327680x128xf32, #tpu.memory_space<hbm>> -> memref<128x128xf32, #tpu.memory_space<hbm>>
      %dma_start3A_260 = arith.constant 0 : i32
      %dma_start3A_261 = tpu.memref_slice %arg4[%add3A_257, %dma_start3A_260] : memref<327680x128xf32, #tpu.memory_space<hbm>> -> memref<128x128xf32, #tpu.memory_space<hbm>>
      tpu.enqueue_dma source(%arg11 : memref<128x128xf32, #tpu.memory_space<vmem>>) target(%dma_start3A_261 : memref<128x128xf32, #tpu.memory_space<hbm>>) target_semaphore(%arg21 : memref<!tpu.dma_semaphore, #tpu.memory_space<semaphore_mem>>)
      %dma_wait3A_262 = arith.constant 0 : i32
      %dma_wait3A_263 = tpu.memref_slice %arg4[%add3A_257, %dma_wait3A_262] : memref<327680x128xf32, #tpu.memory_space<hbm>> -> memref<128x128xf32, #tpu.memory_space<hbm>>
      %dma_wait3A_264 = arith.constant 0 : i32
      %dma_wait3A_265 = tpu.memref_slice %arg4[%add3A_257, %dma_wait3A_264] : memref<327680x128xf32, #tpu.memory_space<hbm>> -> memref<128x128xf32, #tpu.memory_space<hbm>>
      tpu.wait_dma2 semaphore(%arg21 : memref<!tpu.dma_semaphore, #tpu.memory_space<semaphore_mem>>) src(%arg11 : memref<128x128xf32, #tpu.memory_space<vmem>>) dst(%dma_wait3A_265 : memref<128x128xf32, #tpu.memory_space<hbm>>)
      %add3A_266 = arith.constant 5 : i32
      %add3A_267 = arith.addi %add3A_248, %add3A_266 : i32
      %dma_start3A_268 = arith.constant 0 : i32
      %dma_start3A_269 = tpu.memref_slice %arg5[%add3A_267, %dma_start3A_268] : memref<80x128xi32, #tpu.memory_space<vmem>> -> memref<1x128xi32, #tpu.memory_space<vmem>>
      %dma_start3A_270 = tpu.memref_squeeze %dma_start3A_269 : memref<1x128xi32, #tpu.memory_space<vmem>> -> memref<128xi32, #tpu.memory_space<vmem>>
      %dma_start3A_271 = arith.constant 0 : i32
      %dma_start3A_272 = arith.constant 0 : i32
      %dma_start3A_273 = tpu.memref_slice %arg6[%dma_start3A_271, %dma_start3A_272] : memref<1000x128xf32, #tpu.memory_space<vmem_shared>> -> memref<1000x128xf32, #tpu.memory_space<vmem_shared>>
      tpu.enqueue_indirect_dma source(%dma_start3A_273 : memref<1000x128xf32, #tpu.memory_space<vmem_shared>>) target(%arg11 : memref<128x128xf32, #tpu.memory_space<vmem>>) offsets(%dma_start3A_270 : memref<128xi32, #tpu.memory_space<vmem>>) semaphore(%arg16 : memref<!tpu.dma_semaphore, #tpu.memory_space<semaphore_mem>>)
    }
    %scan3A_43 = arith.constant 15 : i32
    %dma_wait3A = arith.constant 75 : i32
    %dma_wait3A_44 = arith.constant 0 : i32
    %dma_wait3A_45 = tpu.memref_slice %arg5[%dma_wait3A, %dma_wait3A_44] : memref<80x128xi32, #tpu.memory_space<vmem>> -> memref<1x128xi32, #tpu.memory_space<vmem>>
    %dma_wait3A_46 = tpu.memref_squeeze %dma_wait3A_45 : memref<1x128xi32, #tpu.memory_space<vmem>> -> memref<128xi32, #tpu.memory_space<vmem>>
    %dma_wait3A_47 = arith.constant 0 : i32
    %dma_wait3A_48 = arith.constant 0 : i32
    %dma_wait3A_49 = tpu.memref_slice %arg6[%dma_wait3A_47, %dma_wait3A_48] : memref<1000x128xf32, #tpu.memory_space<vmem_shared>> -> memref<1000x128xf32, #tpu.memory_space<vmem_shared>>
    tpu.wait_indirect_dma semaphore(%arg12 : memref<!tpu.dma_semaphore, #tpu.memory_space<semaphore_mem>>) src(%dma_wait3A_49 : memref<1000x128xf32, #tpu.memory_space<vmem_shared>>) dst(%arg7 : memref<128x128xf32, #tpu.memory_space<vmem>>)
    %add3A_50 = arith.constant 9600 : i32
    %add3A_51 = arith.addi %mul3A_2, %add3A_50 : i32
    %dma_start3A_52 = arith.constant 0 : i32
    %dma_start3A_53 = tpu.memref_slice %arg4[%add3A_51, %dma_start3A_52] : memref<327680x128xf32, #tpu.memory_space<hbm>> -> memref<128x128xf32, #tpu.memory_space<hbm>>
    %dma_start3A_54 = arith.constant 0 : i32
    %dma_start3A_55 = tpu.memref_slice %arg4[%add3A_51, %dma_start3A_54] : memref<327680x128xf32, #tpu.memory_space<hbm>> -> memref<128x128xf32, #tpu.memory_space<hbm>>
    tpu.enqueue_dma source(%arg7 : memref<128x128xf32, #tpu.memory_space<vmem>>) target(%dma_start3A_55 : memref<128x128xf32, #tpu.memory_space<hbm>>) target_semaphore(%arg17 : memref<!tpu.dma_semaphore, #tpu.memory_space<semaphore_mem>>)
    %dma_wait3A_56 = arith.constant 0 : i32
    %dma_wait3A_57 = tpu.memref_slice %arg4[%add3A_51, %dma_wait3A_56] : memref<327680x128xf32, #tpu.memory_space<hbm>> -> memref<128x128xf32, #tpu.memory_space<hbm>>
    %dma_wait3A_58 = arith.constant 0 : i32
    %dma_wait3A_59 = tpu.memref_slice %arg4[%add3A_51, %dma_wait3A_58] : memref<327680x128xf32, #tpu.memory_space<hbm>> -> memref<128x128xf32, #tpu.memory_space<hbm>>
    tpu.wait_dma2 semaphore(%arg17 : memref<!tpu.dma_semaphore, #tpu.memory_space<semaphore_mem>>) src(%arg7 : memref<128x128xf32, #tpu.memory_space<vmem>>) dst(%dma_wait3A_59 : memref<128x128xf32, #tpu.memory_space<hbm>>)
    %dma_wait3A_60 = arith.constant 76 : i32
    %dma_wait3A_61 = arith.constant 0 : i32
    %dma_wait3A_62 = tpu.memref_slice %arg5[%dma_wait3A_60, %dma_wait3A_61] : memref<80x128xi32, #tpu.memory_space<vmem>> -> memref<1x128xi32, #tpu.memory_space<vmem>>
    %dma_wait3A_63 = tpu.memref_squeeze %dma_wait3A_62 : memref<1x128xi32, #tpu.memory_space<vmem>> -> memref<128xi32, #tpu.memory_space<vmem>>
    %dma_wait3A_64 = arith.constant 0 : i32
    %dma_wait3A_65 = arith.constant 0 : i32
    %dma_wait3A_66 = tpu.memref_slice %arg6[%dma_wait3A_64, %dma_wait3A_65] : memref<1000x128xf32, #tpu.memory_space<vmem_shared>> -> memref<1000x128xf32, #tpu.memory_space<vmem_shared>>
    tpu.wait_indirect_dma semaphore(%arg13 : memref<!tpu.dma_semaphore, #tpu.memory_space<semaphore_mem>>) src(%dma_wait3A_66 : memref<1000x128xf32, #tpu.memory_space<vmem_shared>>) dst(%arg8 : memref<128x128xf32, #tpu.memory_space<vmem>>)
    %add3A_67 = arith.constant 9728 : i32
    %add3A_68 = arith.addi %mul3A_2, %add3A_67 : i32
    %dma_start3A_69 = arith.constant 0 : i32
    %dma_start3A_70 = tpu.memref_slice %arg4[%add3A_68, %dma_start3A_69] : memref<327680x128xf32, #tpu.memory_space<hbm>> -> memref<128x128xf32, #tpu.memory_space<hbm>>
    %dma_start3A_71 = arith.constant 0 : i32
    %dma_start3A_72 = tpu.memref_slice %arg4[%add3A_68, %dma_start3A_71] : memref<327680x128xf32, #tpu.memory_space<hbm>> -> memref<128x128xf32, #tpu.memory_space<hbm>>
    tpu.enqueue_dma source(%arg8 : memref<128x128xf32, #tpu.memory_space<vmem>>) target(%dma_start3A_72 : memref<128x128xf32, #tpu.memory_space<hbm>>) target_semaphore(%arg18 : memref<!tpu.dma_semaphore, #tpu.memory_space<semaphore_mem>>)
    %dma_wait3A_73 = arith.constant 0 : i32
    %dma_wait3A_74 = tpu.memref_slice %arg4[%add3A_68, %dma_wait3A_73] : memref<327680x128xf32, #tpu.memory_space<hbm>> -> memref<128x128xf32, #tpu.memory_space<hbm>>
    %dma_wait3A_75 = arith.constant 0 : i32
    %dma_wait3A_76 = tpu.memref_slice %arg4[%add3A_68, %dma_wait3A_75] : memref<327680x128xf32, #tpu.memory_space<hbm>> -> memref<128x128xf32, #tpu.memory_space<hbm>>
    tpu.wait_dma2 semaphore(%arg18 : memref<!tpu.dma_semaphore, #tpu.memory_space<semaphore_mem>>) src(%arg8 : memref<128x128xf32, #tpu.memory_space<vmem>>) dst(%dma_wait3A_76 : memref<128x128xf32, #tpu.memory_space<hbm>>)
    %dma_wait3A_77 = arith.constant 77 : i32
    %dma_wait3A_78 = arith.constant 0 : i32
    %dma_wait3A_79 = tpu.memref_slice %arg5[%dma_wait3A_77, %dma_wait3A_78] : memref<80x128xi32, #tpu.memory_space<vmem>> -> memref<1x128xi32, #tpu.memory_space<vmem>>
    %dma_wait3A_80 = tpu.memref_squeeze %dma_wait3A_79 : memref<1x128xi32, #tpu.memory_space<vmem>> -> memref<128xi32, #tpu.memory_space<vmem>>
    %dma_wait3A_81 = arith.constant 0 : i32
    %dma_wait3A_82 = arith.constant 0 : i32
    %dma_wait3A_83 = tpu.memref_slice %arg6[%dma_wait3A_81, %dma_wait3A_82] : memref<1000x128xf32, #tpu.memory_space<vmem_shared>> -> memref<1000x128xf32, #tpu.memory_space<vmem_shared>>
    tpu.wait_indirect_dma semaphore(%arg14 : memref<!tpu.dma_semaphore, #tpu.memory_space<semaphore_mem>>) src(%dma_wait3A_83 : memref<1000x128xf32, #tpu.memory_space<vmem_shared>>) dst(%arg9 : memref<128x128xf32, #tpu.memory_space<vmem>>)
    %add3A_84 = arith.constant 9856 : i32
    %add3A_85 = arith.addi %mul3A_2, %add3A_84 : i32
    %dma_start3A_86 = arith.constant 0 : i32
    %dma_start3A_87 = tpu.memref_slice %arg4[%add3A_85, %dma_start3A_86] : memref<327680x128xf32, #tpu.memory_space<hbm>> -> memref<128x128xf32, #tpu.memory_space<hbm>>
    %dma_start3A_88 = arith.constant 0 : i32
    %dma_start3A_89 = tpu.memref_slice %arg4[%add3A_85, %dma_start3A_88] : memref<327680x128xf32, #tpu.memory_space<hbm>> -> memref<128x128xf32, #tpu.memory_space<hbm>>
    tpu.enqueue_dma source(%arg9 : memref<128x128xf32, #tpu.memory_space<vmem>>) target(%dma_start3A_89 : memref<128x128xf32, #tpu.memory_space<hbm>>) target_semaphore(%arg19 : memref<!tpu.dma_semaphore, #tpu.memory_space<semaphore_mem>>)
    %dma_wait3A_90 = arith.constant 0 : i32
    %dma_wait3A_91 = tpu.memref_slice %arg4[%add3A_85, %dma_wait3A_90] : memref<327680x128xf32, #tpu.memory_space<hbm>> -> memref<128x128xf32, #tpu.memory_space<hbm>>
    %dma_wait3A_92 = arith.constant 0 : i32
    %dma_wait3A_93 = tpu.memref_slice %arg4[%add3A_85, %dma_wait3A_92] : memref<327680x128xf32, #tpu.memory_space<hbm>> -> memref<128x128xf32, #tpu.memory_space<hbm>>
    tpu.wait_dma2 semaphore(%arg19 : memref<!tpu.dma_semaphore, #tpu.memory_space<semaphore_mem>>) src(%arg9 : memref<128x128xf32, #tpu.memory_space<vmem>>) dst(%dma_wait3A_93 : memref<128x128xf32, #tpu.memory_space<hbm>>)
    %dma_wait3A_94 = arith.constant 78 : i32
    %dma_wait3A_95 = arith.constant 0 : i32
    %dma_wait3A_96 = tpu.memref_slice %arg5[%dma_wait3A_94, %dma_wait3A_95] : memref<80x128xi32, #tpu.memory_space<vmem>> -> memref<1x128xi32, #tpu.memory_space<vmem>>
    %dma_wait3A_97 = tpu.memref_squeeze %dma_wait3A_96 : memref<1x128xi32, #tpu.memory_space<vmem>> -> memref<128xi32, #tpu.memory_space<vmem>>
    %dma_wait3A_98 = arith.constant 0 : i32
    %dma_wait3A_99 = arith.constant 0 : i32
    %dma_wait3A_100 = tpu.memref_slice %arg6[%dma_wait3A_98, %dma_wait3A_99] : memref<1000x128xf32, #tpu.memory_space<vmem_shared>> -> memref<1000x128xf32, #tpu.memory_space<vmem_shared>>
    tpu.wait_indirect_dma semaphore(%arg15 : memref<!tpu.dma_semaphore, #tpu.memory_space<semaphore_mem>>) src(%dma_wait3A_100 : memref<1000x128xf32, #tpu.memory_space<vmem_shared>>) dst(%arg10 : memref<128x128xf32, #tpu.memory_space<vmem>>)
    %add3A_101 = arith.constant 9984 : i32
    %add3A_102 = arith.addi %mul3A_2, %add3A_101 : i32
    %dma_start3A_103 = arith.constant 0 : i32
    %dma_start3A_104 = tpu.memref_slice %arg4[%add3A_102, %dma_start3A_103] : memref<327680x128xf32, #tpu.memory_space<hbm>> -> memref<128x128xf32, #tpu.memory_space<hbm>>
    %dma_start3A_105 = arith.constant 0 : i32
    %dma_start3A_106 = tpu.memref_slice %arg4[%add3A_102, %dma_start3A_105] : memref<327680x128xf32, #tpu.memory_space<hbm>> -> memref<128x128xf32, #tpu.memory_space<hbm>>
    tpu.enqueue_dma source(%arg10 : memref<128x128xf32, #tpu.memory_space<vmem>>) target(%dma_start3A_106 : memref<128x128xf32, #tpu.memory_space<hbm>>) target_semaphore(%arg20 : memref<!tpu.dma_semaphore, #tpu.memory_space<semaphore_mem>>)
    %dma_wait3A_107 = arith.constant 0 : i32
    %dma_wait3A_108 = tpu.memref_slice %arg4[%add3A_102, %dma_wait3A_107] : memref<327680x128xf32, #tpu.memory_space<hbm>> -> memref<128x128xf32, #tpu.memory_space<hbm>>
    %dma_wait3A_109 = arith.constant 0 : i32
    %dma_wait3A_110 = tpu.memref_slice %arg4[%add3A_102, %dma_wait3A_109] : memref<327680x128xf32, #tpu.memory_space<hbm>> -> memref<128x128xf32, #tpu.memory_space<hbm>>
    tpu.wait_dma2 semaphore(%arg20 : memref<!tpu.dma_semaphore, #tpu.memory_space<semaphore_mem>>) src(%arg10 : memref<128x128xf32, #tpu.memory_space<vmem>>) dst(%dma_wait3A_110 : memref<128x128xf32, #tpu.memory_space<hbm>>)
    %dma_wait3A_111 = arith.constant 79 : i32
    %dma_wait3A_112 = arith.constant 0 : i32
    %dma_wait3A_113 = tpu.memref_slice %arg5[%dma_wait3A_111, %dma_wait3A_112] : memref<80x128xi32, #tpu.memory_space<vmem>> -> memref<1x128xi32, #tpu.memory_space<vmem>>
    %dma_wait3A_114 = tpu.memref_squeeze %dma_wait3A_113 : memref<1x128xi32, #tpu.memory_space<vmem>> -> memref<128xi32, #tpu.memory_space<vmem>>
    %dma_wait3A_115 = arith.constant 0 : i32
    %dma_wait3A_116 = arith.constant 0 : i32
    %dma_wait3A_117 = tpu.memref_slice %arg6[%dma_wait3A_115, %dma_wait3A_116] : memref<1000x128xf32, #tpu.memory_space<vmem_shared>> -> memref<1000x128xf32, #tpu.memory_space<vmem_shared>>
    tpu.wait_indirect_dma semaphore(%arg16 : memref<!tpu.dma_semaphore, #tpu.memory_space<semaphore_mem>>) src(%dma_wait3A_117 : memref<1000x128xf32, #tpu.memory_space<vmem_shared>>) dst(%arg11 : memref<128x128xf32, #tpu.memory_space<vmem>>)
    %add3A_118 = arith.constant 10112 : i32
    %add3A_119 = arith.addi %mul3A_2, %add3A_118 : i32
    %dma_start3A_120 = arith.constant 0 : i32
    %dma_start3A_121 = tpu.memref_slice %arg4[%add3A_119, %dma_start3A_120] : memref<327680x128xf32, #tpu.memory_space<hbm>> -> memref<128x128xf32, #tpu.memory_space<hbm>>
    %dma_start3A_122 = arith.constant 0 : i32
    %dma_start3A_123 = tpu.memref_slice %arg4[%add3A_119, %dma_start3A_122] : memref<327680x128xf32, #tpu.memory_space<hbm>> -> memref<128x128xf32, #tpu.memory_space<hbm>>
    tpu.enqueue_dma source(%arg11 : memref<128x128xf32, #tpu.memory_space<vmem>>) target(%dma_start3A_123 : memref<128x128xf32, #tpu.memory_space<hbm>>) target_semaphore(%arg21 : memref<!tpu.dma_semaphore, #tpu.memory_space<semaphore_mem>>)
    %dma_wait3A_124 = arith.constant 0 : i32
    %dma_wait3A_125 = tpu.memref_slice %arg4[%add3A_119, %dma_wait3A_124] : memref<327680x128xf32, #tpu.memory_space<hbm>> -> memref<128x128xf32, #tpu.memory_space<hbm>>
    %dma_wait3A_126 = arith.constant 0 : i32
    %dma_wait3A_127 = tpu.memref_slice %arg4[%add3A_119, %dma_wait3A_126] : memref<327680x128xf32, #tpu.memory_space<hbm>> -> memref<128x128xf32, #tpu.memory_space<hbm>>
    tpu.wait_dma2 semaphore(%arg21 : memref<!tpu.dma_semaphore, #tpu.memory_space<semaphore_mem>>) src(%arg11 : memref<128x128xf32, #tpu.memory_space<vmem>>) dst(%dma_wait3A_127 : memref<128x128xf32, #tpu.memory_space<hbm>>)
    return
  }
}

module attributes {stable_mosaic.version = 14 : i64} {
  func.func @_ln_table_body(%arg0: memref<1000x128xf32, #tpu.memory_space<vmem>>, %arg1: memref<1x128xf32, #tpu.memory_space<vmem>>, %arg2: memref<1x128xf32, #tpu.memory_space<vmem>>, %arg3: memref<1000x128xf32, #tpu.memory_space<vmem>>) attributes {dimension_semantics = [], scalar_prefetch = 0 : i64, scratch_operands = 0 : i64, tpu.core_type = #tpu.core_type<tc>} {
    %get3A = arith.constant 0 : index
    %get3A_0 = arith.constant 0 : index
    %get3A_1 = vector.load %arg0[%get3A, %get3A_0] : memref<1000x128xf32, #tpu.memory_space<vmem>>, vector<1000x128xf32>
    %reduce_sum3A = arith.constant dense<0.000000e+00> : vector<1000xf32>
    %reduce_sum3A_2 = vector.multi_reduction <add>, %get3A_1, %reduce_sum3A [1] : vector<1000x128xf32> to vector<1000xf32>
    %broadcast_in_dim3A = vector.shape_cast %reduce_sum3A_2 : vector<1000xf32> to vector<1000x1xf32>
    %div3A = arith.constant 1.280000e+02 : f32
    %div3A_3 = vector.broadcast %div3A : f32 to vector<1000x1xf32>
    %div3A_4 = arith.divf %broadcast_in_dim3A, %div3A_3 : vector<1000x1xf32>
    %sub3A = vector.broadcast %div3A_4 : vector<1000x1xf32> to vector<1000x128xf32>
    %sub3A_5 = arith.subf %get3A_1, %sub3A : vector<1000x128xf32>
    %square3A = arith.mulf %sub3A_5, %sub3A_5 : vector<1000x128xf32>
    %reduce_sum3A_6 = arith.constant dense<0.000000e+00> : vector<1000xf32>
    %reduce_sum3A_7 = vector.multi_reduction <add>, %square3A, %reduce_sum3A_6 [1] : vector<1000x128xf32> to vector<1000xf32>
    %broadcast_in_dim3A_8 = vector.shape_cast %reduce_sum3A_7 : vector<1000xf32> to vector<1000x1xf32>
    %div3A_9 = arith.constant 1.280000e+02 : f32
    %div3A_10 = vector.broadcast %div3A_9 : f32 to vector<1000x1xf32>
    %div3A_11 = arith.divf %broadcast_in_dim3A_8, %div3A_10 : vector<1000x1xf32>
    %sub3A_12 = vector.broadcast %div3A_4 : vector<1000x1xf32> to vector<1000x128xf32>
    %sub3A_13 = arith.subf %get3A_1, %sub3A_12 : vector<1000x128xf32>
    %add3A = arith.constant 9.99999974E-6 : f32
    %add3A_14 = vector.broadcast %add3A : f32 to vector<1000x1xf32>
    %add3A_15 = arith.addf %div3A_11, %add3A_14 : vector<1000x1xf32>
    %sqrt3A = math.sqrt %add3A_15 : vector<1000x1xf32>
    %div3A_16 = vector.broadcast %sqrt3A : vector<1000x1xf32> to vector<1000x128xf32>
    %div3A_17 = arith.divf %sub3A_13, %div3A_16 : vector<1000x128xf32>
    %get3A_18 = arith.constant 0 : index
    %get3A_19 = arith.constant 0 : index
    %get3A_20 = vector.load %arg1[%get3A_18, %get3A_19] : memref<1x128xf32, #tpu.memory_space<vmem>>, vector<1x128xf32>
    %mul3A = vector.broadcast %get3A_20 : vector<1x128xf32> to vector<1000x128xf32>
    %mul3A_21 = arith.mulf %div3A_17, %mul3A : vector<1000x128xf32>
    %get3A_22 = arith.constant 0 : index
    %get3A_23 = arith.constant 0 : index
    %get3A_24 = vector.load %arg2[%get3A_22, %get3A_23] : memref<1x128xf32, #tpu.memory_space<vmem>>, vector<1x128xf32>
    %add3A_25 = vector.broadcast %get3A_24 : vector<1x128xf32> to vector<1000x128xf32>
    %add3A_26 = arith.addf %mul3A_21, %add3A_25 : vector<1000x128xf32>
    %swap3A = arith.constant 0 : index
    %swap3A_27 = arith.constant 0 : index
    %swap3A_28 = vector.load %arg3[%swap3A, %swap3A_27] : memref<1000x128xf32, #tpu.memory_space<vmem>>, vector<1000x128xf32>
    tpu.vector_store %arg3[%swap3A, %swap3A_27], %add3A_26 {strides = array<i32>} : memref<1000x128xf32, #tpu.memory_space<vmem>>, vector<1000x128xf32>,
    return
  }
}

</mosaic_0001>

<sc_bundles>
// kernel: kernel.4.cloned.1.call-start
scs
__scs_entry_jumppad:
0x0: {  	(pc) =	sbr.rel $0x88, $3  }
0x1: {  	(tag) =	ssettag $0x0;
	lr =	simm.s32 $0x1  }
0x2: {  	[smem:$0x3F9D] =	sst lr;
	_ =	strace $0xD0000000  }
0x3: {  	_ = 	snop  }
0x4: {  	_ = 	snop  }
0x5: {  	_ = 	snop  }
0x6: {  	_ = 	snop  }
0x7: {  	_ = 	snop  }
__scs_overlays_trampoline_lowered:
0x8: {  	[smem:$0x3FAC] =	sst s0  }
0x9: {  	[smem:$0x3FAD] =	sst s1  }
0xa: {  	[smem:$0x3FAE] =	sst s2  }
0xb: {  	[smem:$0x3FAF] =	sst s3  }
0xc: {  	[smem:$0x3FB0] =	sst s4  }
0xd: {  	[smem:$0x3FB1] =	sst s5  }
0xe: {  	[smem:$0x3FB2] =	sst s6  }
0xf: {  	[smem:$0x3FB3] =	sst s7  }
0x10: {  	[smem:$0x3FB4] =	sst s8  }
0x11: {  	[smem:$0x3FB5] =	sst s9;
	s0 =	simm.s32 @!p0 $0x0  }
0x12: {  	s1 =	sld [smem:$0x3F9B];
	s0 =	simm.s32 @p0 $0x1  }
0x13: {  	[smem:$0x3FB6] =	sst s0;
	s0 =	simm.s32 @!p1 $0x0  }
0x14: {  	s2 =	sld [smem:$0x3F9A];
	s0 =	simm.s32 @p1 $0x1  }
0x15: {  	[smem:$0x3FB7] =	sst s0;
	s0 =	simm.s32 @!p2 $0x0  }
0x16: {  	s3 =	sld [smem:$0x3FDB];
	s0 =	simm.s32 @p2 $0x1  }
0x17: {  	s4 =	simm.s32 $0x1BF5;
	[smem:$0x3FB9] =	sst s0  }
0x18: {  	s0 =	sld [smem:$0x3F9C];
	_ =	swait.ge [sflag:s4], $0x0  }
0x19: {  	s7 =	sld [smem:$0x3F9D]  }
0x1a: {  	s8 =	sadd.s32 $0xFFFFE003, lr  }
0x1b: {  	s9 =	sadd.s32 $0xFFFFFEF7, lr;
	s5 =	simm.s32 $0xFFFFFFFF;
	p2 =	slt.u32 s8, $0xFFFFF086  }
0x1c: {  	p1 =	slt.u32 s9, $0xF7A;
	s5 =	simm.s32 @!p2 $0x0  }
0x1d: {  	s5 =	simm.s32 @p1 $0x1;
	p0 =	seq.s32 s7, s2  }
0x1e: {  	s7 =	smul.u32 @!p0 $0xF7A, s2;
	p2 =	seq.s32 @!p0 s5, $0x0  }
0x1f: {  	s9 =	smul.u32 $0xF7A, s1;
	s8 =	simm.s32 @!p0 $0x1BF5;
	p2 =	por !p2, p0  }
0x20: {  	[sflag:s8] =	ssyncset.s32 @!p0 $0xFFFFF086;
	s6 =	sadd.s32 @!p0 s3, s7;
	s7 =	simm.s32 @!p0 $0x108  }
0x21: {  	s3 =	sadd.s32 s3, s9;
	s6 =	sadd.s32 @!p0 $0x88, s6;
	s7 =	simm.s32 @p2 $0x1082  }
0x22: {  	[simem:s7], [sflag:s8] =	dma.local @!p0 [hbm:s6], $0xF7A  }
0x23: {  	s9 =	sor.u32 $0xD0000000, s2;
	s6 =	simm.s32 $0x108;
	_ =	swait.ge @!p0 [sflag:s8], $0x0  }
0x24: {  	s3 =	sadd.s32 $0x88, s3;
	s6 =	simm.s32 @!p1 $0x1082;
	[sflag:s4] =	ssyncset.s32 $0xFFFFF086  }
0x25: {  	[simem:s6], [sflag:s4] =	dma.local [hbm:s3], $0xF7A  }
0x26: {  	[smem:$0x3F9D] =	sst s1;
	(tag) =	ssettag s2;
	_ =	strace s9  }
0x27: {  	s1 =	sld [smem:$0x3FAD]  }
0x28: {  	s2 =	sld [smem:$0x3FAE]  }
0x29: {  	s4 =	sld [smem:$0x3FB0]  }
0x2a: {  	p0 =	seq.s32 s5, $0x0;
	s5 =	sld [smem:$0x3FB1]  }
0x2b: {  	s6 =	sld [smem:$0x3FB2]  }
0x2c: {  	s7 =	sld [smem:$0x3FB3]  }
0x2d: {  	s3 =	simm.s32 $0x108;
	s8 =	sld [smem:$0x3FB4]  }
0x2e: {  	s3 =	simm.s32 @!p0 $0x1082;
	s9 =	sld [smem:$0x3FB5]  }
0x2f: {  	lr =	sadd.s32 s0, s3;
	s0 =	sld [smem:$0x3FAC]  }
0x30: {  	s3 =	sld [smem:$0x3FAF]  }
0x31: {  	[smem:$0x3FB8] =	sst s10  }
0x32: {  	s10 =	sld [smem:$0x3FB6];
	_ =	sdelay $0x3  }
0x33: {  	p0 =	seq.s32 s10, $0x1;
	s10 =	sld [smem:$0x3FB8];
	_ =	sdelay $0x3  }
0x34: {  	[smem:$0x3FB8] =	sst s10  }
0x35: {  	s10 =	sld [smem:$0x3FB7];
	_ =	sdelay $0x3  }
0x36: {  	p1 =	seq.s32 s10, $0x1;
	s10 =	sld [smem:$0x3FB8];
	_ =	sdelay $0x3  }
0x37: {  	[smem:$0x3FB8] =	sst s10  }
0x38: {  	s10 =	sld [smem:$0x3FB9]  }
0x39: {  	_ = 	snop;
	(pc) =	sbr.ind lr, $3  }
0x3a: {  	_ = 	snop  }
0x3b: {  	_ = 	snop  }
0x3c: {  	p2 =	seq.s32 s10, $0x1;
	s10 =	sld [smem:$0x3FB8]  }
0x3d: {  	_ =	shalt  }
0x3e: {  	_ =	shalt  }
0x3f: {  	_ =	shalt  }
0x40: {  	_ =	shalt  }
0x41: {  	_ =	shalt  }
0x42: {  	_ =	shalt  }
0x43: {  	_ =	shalt  }
0x44: {  	_ =	shalt  }
0x45: {  	_ =	shalt  }
0x46: {  	_ =	shalt  }
0x47: {  	_ =	shalt  }
0x48: {  	_ =	shalt  }
0x49: {  	_ =	shalt  }
0x4a: {  	_ =	shalt  }
0x4b: {  	_ =	shalt  }
0x4c: {  	_ =	shalt  }
0x4d: {  	_ =	shalt  }
0x4e: {  	_ =	shalt  }
0x4f: {  	_ =	shalt  }
0x50: {  	_ =	shalt  }
0x51: {  	_ =	shalt  }
0x52: {  	_ =	shalt  }
0x53: {  	_ =	shalt  }
0x54: {  	_ =	shalt  }
0x55: {  	_ =	shalt  }
0x56: {  	_ =	shalt  }
0x57: {  	_ =	shalt  }
0x58: {  	_ =	shalt  }
0x59: {  	_ =	shalt  }
0x5a: {  	_ =	shalt  }
0x5b: {  	_ =	shalt  }
0x5c: {  	_ =	shalt  }
0x5d: {  	_ =	shalt  }
0x5e: {  	_ =	shalt  }
0x5f: {  	_ =	shalt  }
0x60: {  	_ =	shalt  }
0x61: {  	_ =	shalt  }
0x62: {  	_ =	shalt  }
0x63: {  	_ =	shalt  }
0x64: {  	_ =	shalt  }
0x65: {  	_ =	shalt  }
0x66: {  	_ =	shalt  }
0x67: {  	_ =	shalt  }
0x68: {  	_ =	shalt  }
0x69: {  	_ =	shalt  }
0x6a: {  	_ =	shalt  }
0x6b: {  	_ =	shalt  }
0x6c: {  	_ =	shalt  }
0x6d: {  	_ =	shalt  }
0x6e: {  	_ =	shalt  }
0x6f: {  	_ =	shalt  }
0x70: {  	_ =	shalt  }
0x71: {  	_ =	shalt  }
0x72: {  	_ =	shalt  }
0x73: {  	_ =	shalt  }
0x74: {  	_ =	shalt  }
0x75: {  	_ =	shalt  }
0x76: {  	_ =	shalt  }
0x77: {  	_ =	shalt  }
0x78: {  	_ =	shalt  }
0x79: {  	_ =	shalt  }
0x7a: {  	_ =	shalt  }
0x7b: {  	_ =	shalt  }
0x7c: {  	_ =	shalt  }
0x7d: {  	_ =	shalt  }
0x7e: {  	_ =	shalt  }
0x7f: {  	_ =	shalt  }
0x80: {  	_ =	shalt  }
0x81: {  	_ =	shalt  }
0x82: {  	_ =	shalt  }
0x83: {  	_ =	shalt  }
0x84: {  	_ =	shalt  }
0x85: {  	_ =	shalt  }
0x86: {  	_ =	shalt  }
0x87: {  	_ =	shalt  }
.Lfunc_end0:
.L_simem_size_0:
called_computation_lowered:
.L_overlay_start_0:
0x88: {  	s2 =	sld [smem:$0x3FD9]  }
0x89: {  	s3 =	sld [smem:$0x3FFE];
	_ =	sdelay $0x1  }
0x8a: {  	s1 =	srdreg.scid  }
0x8b: {  	s0 =	sand.u32 $0x1, s1  }
0x8c: {  	s17 =	sshll.u32 s0, $0xA;
	s2 =	sadd.s32 s3, s2  }
0x8d: {  	s2 =	sadd.s32 s2, s17  }
0x8e: {  	[smem:$0x3FC4] =	sst s2  }
0x8f: {  	_ = 	snop  }
0x90: {  	s2 =	sld [smem:$0x3FD0];
	(tm) =	ssettm $0x1  }
0x91: {  	s18 =	sld [smem:$0x3FFB];
	_ =	sdelay $0x3  }
0x92: {  	_ =	strace s18  }
0x93: {  	s3 =	sld [smem:$0x3FFC];
	_ =	sdelay $0x3  }
0x94: {  	_ =	strace s3  }
0x95: {  	s3 =	sld [smem:$0x3FFD];
	_ =	sdelay $0x3  }
0x96: {  	_ =	strace s3  }
0x97: {  	_ =	strace $0x8FFFFFFF  }
0x98: {  	s19 =	sld [smem:$0x3FDB];
	_ =	sdelay $0x1  }
0x99: {  	s4 =	simm.s32 $_scs_section_size  }
0x9a: {  	s5 =	simm.s32 $_size__tile_overlayer_lowered;
	s6 =	simm.s32 $_tile_overlayer_lowered  }
0x9b: {  	s22 =	simm.s32 $0x1BFF;
	s21 =	sshll.u32 s6, $0x1;
	s3 =	sadd.s32 s4, s19  }
0x9c: {  	s7 =	simm.s32 $0x0;
	s20 =	sshll.u32 s5, $0x1;
	s5 =	sadd.s32 s21, s3  }
0x9d: {  	[timem:s7], [sflag:s22] =	dma.local [hbm:s5], s20  }
0x9e: {  	_ =	swait.ge [sflag:s22], s20  }
0x9f: {  	s4 =	ssub.s32 $0x0, s20;
	[sflag:s22] =	ssyncset.done $0x0  }
0xa0: {  	[sflag:s22] =	ssyncadd.s32 s4;
	_ =	sdelay $0x1  }
0xa1: {  	s23 =	simm.s32 $0x1B8B  }
0xa2: {  	_ =	swait.ge [sflag:s23], $0x1  }
0xa3: {  	[sflag:s23] =	ssyncset.done $0x0  }
0xa4: {  	s25 =	simm.s32 $0x1B8E;
	s24 =	sld [smem:$0x3FFE];
	[sflag:s23] =	ssyncadd.s32 $0xFFFFFFFF  }
0xa5: {  	s26 =	simm.s32 $execute0_lowered;
	[smem:$0x3FD2] =	sst s25  }
0xa6: {  	s5 =	sshll.u32 s26, $0x1;
	_ =	strace $0x80000046;
	[dreg:$0x1] =	wrdreg $0xFFFFFFFF  }
0xa7: {  	s28 =	simm.s32 $_size_execute0_lowered;
	s3 =	sadd.s32 s3, s5;
	[dreg:$0x0] =	wrdreg $0x0  }
0xa8: {  	s5 =	sshll.u32 s28, $0x1;
	[dreg:$0x2] =	wrdreg s3  }
0xa9: {  	[dreg:$0x3] =	wrdreg s5  }
0xaa: {  	[dreg:$0x4] =	wrdreg $0xC0  }
0xab: {  	_ =	task [dreg:s7], $0x5FFFF  }
0xac: {  	[dreg:$0x1] =	wrdreg $0xFFFFFFFF  }
0xad: {  	[dreg:$0x0] =	wrdreg $0x60  }
0xae: {  	[dreg:$0x2] =	wrdreg s24  }
0xaf: {  	[dreg:$0x3] =	wrdreg s2  }
0xb0: {  	[dreg:$0x4] =	wrdreg $0x28000  }
0xb1: {  	[dreg:$0x5] =	wrdreg $0x9  }
0xb2: {  	_ =	task.clear_ibuf [dreg:s7], $0x6FFFF;
	_ =	strace $0x90000046  }
0xb3: {  	s29 =	simm.s32 $0x9;
	_ =	strace $0x80000048  }
0xb4: {  	_ =	swait.ge [sflag:s29], $0x1  }
0xb5: {  	[sflag:s29] =	ssyncadd.s32 $0xFFFFFFFF  }
0xb6: {  	_ =	strace $0x90000048  }
0xb7: {  	_ =	sfence  }
0xb8: {  	s30 =	sld [smem:$0x0];
	_ =	sdelay $0x2  }
0xb9: {  	s31 =	sshll.u32 s1, $0xD;
	s1 =	sshrl.u32 s1, $0x2  }
0xba: {  	s3 =	sand.u32 $0x4000, s31;
	s1 =	sadd.s32 s1, s30  }
0xbb: {  	s0 =	sor.u32 s3, s0;
	s1 =	sshll.u32 s1, $0x11  }
0xbc: {  	s0 =	sor.u32 s1, s0  }
0xbd: {  	s0 =	sadd.s32 $0x8F2B, s0  }
0xbe: {  	[sflag:s0] =	ssyncadd.remote.s32 $0x1  }
0xbf: {  	_ =	sfence.sel $0xFFFF  }
0xc0: {  	[dreg:$0x0] =	wrdreg $0xFFFFFFFF;
	(pc) =	sbr.abs _section_cstart, $3  }
0xc1: {  	[dreg:$0x1] =	wrdreg $0xFFFFFFFF  }
0xc2: {  	_ =	task.clear_ibuf [dreg:s7], $0x2FFFF;
	_ =	strace $0x9FFFFFFF  }
0xc3: {  	(tm) =	ssettm $0x7FFFFFFF  }
tec
execute0_lowered:
.L_overlay_start_1:
0x0: {  	(tag) =	ssettag $0x1  }
0x1: {  	s0 =	rddreg [dreg:$0x0]  }
0x2: {  	s3 =	rddreg [dreg:$0x1];
	s2 =	srdreg.scid  }
0x3: {  	s4 =	stileid.u32;
	s1 =	rddreg [dreg:$0x2]  }
0x4: {  	s13 =	simm.s32 $0xB;
	s14 =	simm.s32 $0x80;
	s15 =	simm.s32 $0x4740  }
0x5: {  	s16 =	simm.s32 $0x8740;
	s18 =	simm.s32 $0xC740;
	s20 =	simm.s32 $0x10740  }
0x6: {  	s22 =	simm.s32 $0x14740;
	s28 =	simm.s32 $0x3;
	s29 =	simm.s32 $0x8  }
0x7: {  	s30 =	simm.s32 $0x4;
	s31 =	simm.s32 $0x9;
	s17 =	simm.s32 $0xA  }
0x8: {  	s19 =	simm.s32 $0x0;
	s7 =	sand.u32 $0x1, s2;
	s5 =	sshll.u32 s4, $0x1  }
0x9: {  	s2 =	simm.s32 $0x0;
	s9 =	sadd.s32 $0xAC00, s0;
	s25 =	smul.u32 $0x50000, s4  }
0xa: {  	p0 =	sne.s32 s4, $0x0;
	s5 =	sor.u32 s7, s5;
	s11 =	smul.u32 $0x28000, s7  }
0xb: {  	[smem:$0x7FF] =	sst s2;
	s8 =	ssub.s32 $0x2, s7;
	s6 =	smul.u32 $0x2800, s5  }
0xc: {  	s12 =	sshrl.u32 @!p0 s1, $0x3;
	s5 =	smul.u32 $0x140000, s5;
	s23 =	sshrl.u32 s8, $0x1  }
0xd: {  	_ =	strace $0x80000047;
	[dreg:$0x4] =	wrdreg s9;
	s10 =	ssub.s32 s8, s23  }
0xe: {  	s23 =	simm.s32 $0x1;
	s6 =	sshrl.u32 s6, $0x3;
	s5 =	sshrl.u32 s5, $0x3  }
0xf: {  	s10 =	smax.u32 s10, $0x1;
	s0 =	sadd.s32 s6, s0;
	s24 =	sadd.s32 s3, s5  }
0x10: {  	s3 =	sadd.s32 s25, s3;
	s25 =	simm.s32 $0x2;
	s0 =	sadd.s32 $0xC00, s0  }
0x11: {  	s5 =	sadd.s32 $0x25800, s24;
	s6 =	sadd.s32 $0x26000, s24;
	s7 =	sadd.s32 $0x26800, s24  }
0x12: {  	s8 =	sadd.s32 $0x27000, s24;
	s9 =	sadd.s32 $0x27800, s24;
	[dreg:$0x5] =	wrdreg s0  }
0x13: {  	s26 =	sadd.s32 s11, s3;
	s24 =	simm.s32 $0x6;
	[dreg:$0x6] =	wrdreg s5  }
0x14: {  	s11 =	sadd.s32 $0x2000, s26;
	s26 =	simm.s32 $0x7;
	s0 =	simm.s32 $0x5  }
.LBB2_1:
0x15: {  	s3 =	simm.s32 @!p0 $0x1C0B;
	s4 =	rddreg [dreg:$0x4]  }
0x16: {  	[spmem:s12], [sflag:s3] =	dma.local @!p0 [hbm:s4], $0x3E80  }
0x17: {  	s3 =	simm.s32 @!p0 $0xB  }
0x18: {  	_ =	swait.ge @!p0 [sflag:s3], $0x3E80  }
0x19: {  	[sflag:s3] =	ssyncset.done @!p0 $0x0  }
0x1a: {  	s4 =	rddreg [dreg:$0x5];
	[sflag:s3] =	ssyncadd.s32 @!p0 $0xFFFFC180  }
0x1b: {  	[tilespmem:s2], [sflag:$0xB] =	stream.linear.gather [hbm4b:s4+s2], $0x2800, $0x38;
	[tilespmem:$0x18740] =	vst v63  }
0x1c: {  	_ =	swait.ge [sflag:s13], $0x2800  }
0x1d: {  	[sflag:s13] =	ssyncset.done $0x0  }
0x1e: {  	[sflag:s13] =	ssyncadd.s32 $0xFFFFD800  }
0x1f: {  	[bflag:$0x0] =	sbarrier.arrive $0xFFFF  }
0x20: {  	[tilespmem:s15], [sflag:$0x1] =	stream.indirect.gather [spmem:s1], $0x80, s2, s14, $0xb8;
	[tilespmem:$0x18740] =	vst v63  }
0x21: {  	_ = 	snop  }
0x22: {  	[tilespmem:s16], [sflag:$0x2] =	stream.indirect.gather [spmem:s1], $0x80, s14, s14, $0xb8;
	[tilespmem:$0x18740] =	vst v63  }
0x23: {  	s5 =	simm.s32 $0x100  }
0x24: {  	[tilespmem:s18], [sflag:$0x3] =	stream.indirect.gather [spmem:s1], $0x80, s5, s14, $0xb8;
	[tilespmem:$0x18740] =	vst v63  }
0x25: {  	s21 =	simm.s32 $0x180  }
0x26: {  	[tilespmem:s20], [sflag:$0x4] =	stream.indirect.gather [spmem:s1], $0x80, s21, s14, $0xb8;
	[tilespmem:$0x18740] =	vst v63  }
0x27: {  	s4 =	simm.s32 $0x200  }
0x28: {  	[tilespmem:s22], [sflag:$0x5] =	stream.indirect.gather [spmem:s1], $0x80, s4, s14, $0xb8;
	[tilespmem:$0x18740] =	vst v63  }
0x29: {  	_ =	swait.ge [sflag:s23], $0x4000  }
0x2a: {  	[sflag:s23] =	ssyncset.done $0x0  }
0x2b: {  	s5 =	sadd.s32 $0xFFFFE000, s11;
	[sflag:s23] =	ssyncadd.s32 $0xFFFFC000  }
0x2c: {  	[hbm4b:s5+s2] =	stream.linear.scatter [tilespmem:s15], [sflag:$0x6], $0x4000, $0x38;
	[tilespmem:$0x18740] =	vst v63  }
0x2d: {  	_ =	swait.ge [sflag:s24], $0x4000  }
0x2e: {  	[sflag:s24] =	ssyncset.done $0x0  }
0x2f: {  	s21 =	simm.s32 $0x280;
	[sflag:s24] =	ssyncadd.s32 $0xFFFFC000  }
0x30: {  	[tilespmem:s15], [sflag:$0x1] =	stream.indirect.gather [spmem:s1], $0x80, s21, s14, $0xb8;
	[tilespmem:$0x18740] =	vst v63  }
0x31: {  	_ =	swait.ge [sflag:s25], $0x4000  }
0x32: {  	[sflag:s25] =	ssyncset.done $0x0  }
0x33: {  	s4 =	sadd.s32 $0xFFFFE800, s11;
	[sflag:s25] =	ssyncadd.s32 $0xFFFFC000  }
0x34: {  	[hbm4b:s4+s2] =	stream.linear.scatter [tilespmem:s16], [sflag:$0x7], $0x4000, $0x38;
	[tilespmem:$0x18740] =	vst v63  }
0x35: {  	_ =	swait.ge [sflag:s26], $0x4000  }
0x36: {  	[sflag:s26] =	ssyncset.done $0x0  }
0x37: {  	s5 =	simm.s32 $0x300;
	[sflag:s26] =	ssyncadd.s32 $0xFFFFC000  }
0x38: {  	[tilespmem:s16], [sflag:$0x2] =	stream.indirect.gather [spmem:s1], $0x80, s5, s14, $0xb8;
	[tilespmem:$0x18740] =	vst v63  }
0x39: {  	_ =	swait.ge [sflag:s28], $0x4000  }
0x3a: {  	[sflag:s28] =	ssyncset.done $0x0  }
0x3b: {  	s21 =	sadd.s32 $0xFFFFF000, s11;
	[sflag:s28] =	ssyncadd.s32 $0xFFFFC000  }
0x3c: {  	[hbm4b:s21+s2] =	stream.linear.scatter [tilespmem:s18], [sflag:$0x8], $0x4000, $0x38;
	[tilespmem:$0x18740] =	vst v63  }
0x3d: {  	_ =	swait.ge [sflag:s29], $0x4000  }
0x3e: {  	[sflag:s29] =	ssyncset.done $0x0  }
0x3f: {  	s4 =	simm.s32 $0x380;
	[sflag:s29] =	ssyncadd.s32 $0xFFFFC000  }
0x40: {  	[tilespmem:s18], [sflag:$0x3] =	stream.indirect.gather [spmem:s1], $0x80, s4, s14, $0xb8;
	[tilespmem:$0x18740] =	vst v63  }
0x41: {  	_ =	swait.ge [sflag:s30], $0x4000  }
0x42: {  	[sflag:s30] =	ssyncset.done $0x0  }
0x43: {  	s5 =	sadd.s32 $0xFFFFF800, s11;
	[sflag:s30] =	ssyncadd.s32 $0xFFFFC000  }
0x44: {  	[hbm4b:s5+s2] =	stream.linear.scatter [tilespmem:s20], [sflag:$0x9], $0x4000, $0x38;
	[tilespmem:$0x18740] =	vst v63  }
0x45: {  	_ =	swait.ge [sflag:s31], $0x4000  }
0x46: {  	[sflag:s31] =	ssyncset.done $0x0  }
0x47: {  	s21 =	simm.s32 $0x400;
	[sflag:s31] =	ssyncadd.s32 $0xFFFFC000  }
0x48: {  	[tilespmem:s20], [sflag:$0x4] =	stream.indirect.gather [spmem:s1], $0x80, s21, s14, $0xb8;
	[tilespmem:$0x18740] =	vst v63  }
0x49: {  	_ =	swait.ge [sflag:s0], $0x4000  }
0x4a: {  	[sflag:s0] =	ssyncset.done $0x0  }
0x4b: {  	[sflag:s0] =	ssyncadd.s32 $0xFFFFC000  }
0x4c: {  	[hbm4b:s11+s2] =	stream.linear.scatter [tilespmem:s22], [sflag:$0xA], $0x4000, $0x38;
	[tilespmem:$0x18740] =	vst v63  }
0x4d: {  	_ =	swait.ge [sflag:s17], $0x4000  }
0x4e: {  	s3 =	sadd.s32 $0x2800, s11;
	[sflag:s17] =	ssyncset.done $0x0  }
0x4f: {  	s4 =	simm.s32 $0x480;
	s21 =	simm.s32 $0xA00;
	[sflag:s17] =	ssyncadd.s32 $0xFFFFC000  }
.LBB2_2:
0x50: {  	[tilespmem:s22], [sflag:$0x5] =	stream.indirect.gather [spmem:s1], $0x80, s4, s14, $0xb8;
	[tilespmem:$0x18740] =	vst v63  }
0x51: {  	s4 =	smov.u32 s21  }
0x52: {  	p1 =	sne.s32 s21, $0x8C00;
	s21 =	sadd.s32 $0xA00, s21;
	_ =	swait.ge [sflag:s23], $0x4000  }
0x53: {  	[sflag:s23] =	ssyncset.done $0x0  }
0x54: {  	s5 =	sadd.s32 $0xFFFFE000, s3;
	[sflag:s23] =	ssyncadd.s32 $0xFFFFC000  }
0x55: {  	[hbm4b:s5+s2] =	stream.linear.scatter [tilespmem:s15], [sflag:$0x6], $0x4000, $0x38;
	[tilespmem:$0x18740] =	vst v63  }
0x56: {  	_ =	swait.ge [sflag:s24], $0x4000  }
0x57: {  	s4 =	sshra.s32 s4, $0x2;
	[sflag:s24] =	ssyncset.done $0x0  }
0x58: {  	s5 =	sadd.s32 $0x280, s4;
	[sflag:s24] =	ssyncadd.s32 $0xFFFFC000  }
0x59: {  	[tilespmem:s15], [sflag:$0x1] =	stream.indirect.gather [spmem:s1], $0x80, s5, s14, $0xb8;
	[tilespmem:$0x18740] =	vst v63  }
0x5a: {  	_ =	swait.ge [sflag:s25], $0x4000  }
0x5b: {  	[sflag:s25] =	ssyncset.done $0x0  }
0x5c: {  	s5 =	sadd.s32 $0xFFFFE800, s3;
	[sflag:s25] =	ssyncadd.s32 $0xFFFFC000  }
0x5d: {  	[hbm4b:s5+s2] =	stream.linear.scatter [tilespmem:s16], [sflag:$0x7], $0x4000, $0x38;
	[tilespmem:$0x18740] =	vst v63  }
0x5e: {  	_ =	swait.ge [sflag:s26], $0x4000  }
0x5f: {  	[sflag:s26] =	ssyncset.done $0x0  }
0x60: {  	s5 =	sadd.s32 $0x300, s4;
	[sflag:s26] =	ssyncadd.s32 $0xFFFFC000  }
0x61: {  	[tilespmem:s16], [sflag:$0x2] =	stream.indirect.gather [spmem:s1], $0x80, s5, s14, $0xb8;
	[tilespmem:$0x18740] =	vst v63  }
0x62: {  	_ =	swait.ge [sflag:s28], $0x4000  }
0x63: {  	[sflag:s28] =	ssyncset.done $0x0  }
0x64: {  	s5 =	sadd.s32 $0xFFFFF000, s3;
	[sflag:s28] =	ssyncadd.s32 $0xFFFFC000  }
0x65: {  	[hbm4b:s5+s2] =	stream.linear.scatter [tilespmem:s18], [sflag:$0x8], $0x4000, $0x38;
	[tilespmem:$0x18740] =	vst v63  }
0x66: {  	_ =	swait.ge [sflag:s29], $0x4000  }
0x67: {  	[sflag:s29] =	ssyncset.done $0x0  }
0x68: {  	s5 =	sadd.s32 $0x380, s4;
	[sflag:s29] =	ssyncadd.s32 $0xFFFFC000  }
0x69: {  	[tilespmem:s18], [sflag:$0x3] =	stream.indirect.gather [spmem:s1], $0x80, s5, s14, $0xb8;
	[tilespmem:$0x18740] =	vst v63  }
0x6a: {  	_ =	swait.ge [sflag:s30], $0x4000  }
0x6b: {  	[sflag:s30] =	ssyncset.done $0x0  }
0x6c: {  	s5 =	sadd.s32 $0xFFFFF800, s3;
	[sflag:s30] =	ssyncadd.s32 $0xFFFFC000  }
0x6d: {  	[hbm4b:s5+s2] =	stream.linear.scatter [tilespmem:s20], [sflag:$0x9], $0x4000, $0x38;
	[tilespmem:$0x18740] =	vst v63  }
0x6e: {  	_ =	swait.ge [sflag:s31], $0x4000  }
0x6f: {  	[sflag:s31] =	ssyncset.done $0x0  }
0x70: {  	s5 =	sadd.s32 $0x400, s4;
	[sflag:s31] =	ssyncadd.s32 $0xFFFFC000  }
0x71: {  	[tilespmem:s20], [sflag:$0x4] =	stream.indirect.gather [spmem:s1], $0x80, s5, s14, $0xb8;
	[tilespmem:$0x18740] =	vst v63  }
0x72: {  	_ =	swait.ge [sflag:s0], $0x4000  }
0x73: {  	[sflag:s0] =	ssyncset.done $0x0  }
.Ltmp0:
0x74: {  	[sflag:s0] =	ssyncadd.s32 $0xFFFFC000;
	(pc) =	sbr.rel @p1 .LBB2_2-.Ltmp0, $4  }
0x75: {  	[hbm4b:s3+s2] =	stream.linear.scatter [tilespmem:s22], [sflag:$0xA], $0x4000, $0x38;
	[tilespmem:$0x18740] =	vst v63  }
0x76: {  	_ =	swait.ge [sflag:s17], $0x4000  }
0x77: {  	[sflag:s17] =	ssyncset.done $0x0  }
0x78: {  	s4 =	sadd.s32 $0x480, s4;
	s3 =	sadd.s32 $0x2800, s3;
	[sflag:s17] =	ssyncadd.s32 $0xFFFFC000  }
0x79: {  	[tilespmem:s22], [sflag:$0x5] =	stream.indirect.gather [spmem:s1], $0x80, s4, s14, $0xb8;
	[tilespmem:$0x18740] =	vst v63  }
0x7a: {  	_ =	swait.ge [sflag:s23], $0x4000  }
0x7b: {  	[sflag:s23] =	ssyncset.done $0x0  }
0x7c: {  	s3 =	rddreg [dreg:$0x6];
	[sflag:s23] =	ssyncadd.s32 $0xFFFFC000  }
0x7d: {  	[hbm4b:s3+s2] =	stream.linear.scatter [tilespmem:s15], [sflag:$0x6], $0x4000, $0x38;
	[tilespmem:$0x18740] =	vst v63  }
0x7e: {  	_ =	swait.ge [sflag:s24], $0x4000  }
0x7f: {  	[sflag:s24] =	ssyncset.done $0x0  }
0x80: {  	[sflag:s24] =	ssyncadd.s32 $0xFFFFC000  }
0x81: {  	_ =	swait.ge [sflag:s25], $0x4000  }
0x82: {  	[sflag:s25] =	ssyncset.done $0x0  }
0x83: {  	[sflag:s25] =	ssyncadd.s32 $0xFFFFC000  }
0x84: {  	[hbm4b:s6+s2] =	stream.linear.scatter [tilespmem:s16], [sflag:$0x7], $0x4000, $0x38;
	[tilespmem:$0x18740] =	vst v63  }
0x85: {  	_ =	swait.ge [sflag:s26], $0x4000  }
0x86: {  	[sflag:s26] =	ssyncset.done $0x0  }
0x87: {  	[sflag:s26] =	ssyncadd.s32 $0xFFFFC000  }
0x88: {  	_ =	swait.ge [sflag:s28], $0x4000  }
0x89: {  	[sflag:s28] =	ssyncset.done $0x0  }
0x8a: {  	[sflag:s28] =	ssyncadd.s32 $0xFFFFC000  }
0x8b: {  	[hbm4b:s7+s2] =	stream.linear.scatter [tilespmem:s18], [sflag:$0x8], $0x4000, $0x38;
	[tilespmem:$0x18740] =	vst v63  }
0x8c: {  	_ =	swait.ge [sflag:s29], $0x4000  }
0x8d: {  	[sflag:s29] =	ssyncset.done $0x0  }
0x8e: {  	[sflag:s29] =	ssyncadd.s32 $0xFFFFC000  }
0x8f: {  	_ =	swait.ge [sflag:s30], $0x4000  }
0x90: {  	[sflag:s30] =	ssyncset.done $0x0  }
0x91: {  	[sflag:s30] =	ssyncadd.s32 $0xFFFFC000  }
0x92: {  	[hbm4b:s8+s2] =	stream.linear.scatter [tilespmem:s20], [sflag:$0x9], $0x4000, $0x38;
	[tilespmem:$0x18740] =	vst v63  }
0x93: {  	_ =	swait.ge [sflag:s31], $0x4000  }
0x94: {  	[sflag:s31] =	ssyncset.done $0x0  }
0x95: {  	[sflag:s31] =	ssyncadd.s32 $0xFFFFC000  }
0x96: {  	s19 =	sadd.s32 $0x1, s19;
	_ =	swait.ge [sflag:s0], $0x4000  }
0x97: {  	p1 =	sne.s32 s19, s10;
	[sflag:s0] =	ssyncset.done $0x0  }
.Ltmp1:
0x98: {  	[sflag:s0] =	ssyncadd.s32 $0xFFFFC000;
	(pc) =	sbr.rel @p1 .LBB2_1-.Ltmp1, $4  }
0x99: {  	[hbm4b:s9+s2] =	stream.linear.scatter [tilespmem:s22], [sflag:$0xA], $0x4000, $0x38;
	[tilespmem:$0x18740] =	vst v63  }
0x9a: {  	_ =	swait.ge [sflag:s17], $0x4000  }
0x9b: {  	[sflag:s17] =	ssyncset.done $0x0  }
0x9c: {  	[sflag:s17] =	ssyncadd.s32 $0xFFFFC000  }
0x9d: {  	_ =	sfence.sel $0x180000  }
0x9e: {  	[bflag:$0x0] =	sbarrier.arrive $0xFFFF  }
0x9f: {  	_ =	strace $0x90000047  }
0xa0: {  	[bflag:$0x2] =	sbarrier.arrive $0xFFFF  }
0xa1: {  	s0 =	rddreg [dreg:$0x3]  }
0xa2: {  	s0 =	sadd.s32 @!p0 $0x100000, s0  }
0xa3: {  	[sflag:s0] =	ssyncadd.tile.s32 @!p0 $0x1;
	_ =	shalt  }
.Lfunc_end2:
_tile_overlayer_lowered:
.L_overlay_start_2:
0xa4: {  	(tag) =	ssettag $0x2  }
0xa5: {  	s0 =	rddreg [dreg:$0x0];
	s2 =	stileid.u32  }
0xa6: {  	s1 =	rddreg [dreg:$0x1];
	p0 =	sne.s32 s2, $0x0  }
0xa7: {  	s3 =	rddreg [dreg:$0x2];
	[bflag:$0x3] =	sbarrier.arrive $0xFFFF;
	s2 =	simm.s32 @!p0 $0x1C0B  }
0xa8: {  	[timem:s3], [sflag:s2] =	dma.local @!p0 [hbm:s0], s1  }
0xa9: {  	s0 =	simm.s32 @!p0 $0xB  }
0xaa: {  	_ =	swait.ge @!p0 [sflag:s0], s1  }
0xab: {  	s1 =	ssub.s32 @!p0 $0x0, s1;
	[sflag:s0] =	ssyncset.done @!p0 $0x0  }
0xac: {  	[sflag:s0] =	ssyncadd.s32 @!p0 s1  }
0xad: {  	[bflag:$0x3] =	sbarrier.arrive $0xFFFF  }
0xae: {  	_ =	shalt  }

</sc_bundles>
